<compile_context>
chip_gen: v7x
topology: tpu7x:2x2x1
jax: 0.10.2.dev20260603
libtpu: 0.0.44.dev20260713+nightly
codegen_flags: <defaults>
</compile_context>

<pallas_src>
import functools

import jax
import jax.numpy as jnp
from jax import lax
from jax.experimental import pallas as pl
from jax.experimental.pallas import tpu as pltpu
from jax.experimental.pallas import tpu_sc as plsc

NUM_EMB = 1_000_000
DIM = 32
BATCH = 16384

_info = plsc.get_sparse_core_info()
_NC, _NS = _info.num_cores, _info.num_subcores
_NW = _NC * _NS
_NCOL = NUM_EMB // 128
_TAIL0 = _NCOL * 128
_PW = 4
_MAXPASS = (_NCOL // _NW + 1 + _PW - 1) // _PW
_CAP = 640
_NPAD = 512
_BROWS = BATCH + _NPAD

_params = pltpu.CompilerParams(
    use_tc_tiling_on_sc=True, needs_layout_passes=False)
_mesh = plsc.VectorSubcoreMesh(core_axis_name="c", subcore_axis_name="s")


@functools.partial(
    pl.kernel,
    mesh=_mesh,
    compiler_params=_params,
    out_type=jax.ShapeDtypeStruct((_BROWS, 128), jnp.float32),
    scratch_types=[
        pltpu.VMEM((1024,), jnp.int32),
        pltpu.VMEM((_CAP + 16,), jnp.int32),
        pltpu.VMEM((_CAP + 16,), jnp.int32),
        pltpu.VMEM((_CAP + 16,), jnp.int32),
        pltpu.VMEM((2, DIM, _PW * 128), jnp.float32),
        pltpu.VMEM((_CAP + 16, 128), jnp.float32),
        pltpu.VMEM(((_CAP + 16) // 16, 16), jnp.int32),
        pltpu.VMEM((DIM, NUM_EMB - _TAIL0), jnp.float32),
        pltpu.SemaphoreType.DMA,
        pltpu.SemaphoreType.DMA,
        pltpu.SemaphoreType.DMA,
    ],
)
def _select(idx_hbm, table_hbm, tail_hbm, outc_hbm, idxb, sidx, sjj, jbuf,
            buf, rows, jc2, tailb, tsem0, tsem1, ssem):
    wid = lax.axis_index("s") * _NC + lax.axis_index("c")
    c0 = wid * _NCOL // _NW
    c1 = (wid + 1) * _NCOL // _NW
    ncols = c1 - c0
    npass = (ncols + _PW - 1) // _PW
    lanes = lax.iota(jnp.int32, 16)
    lo = c0 * 128
    hi = jnp.where(wid == _NW - 1, NUM_EMB, c1 * 128)
    tsems = (tsem0, tsem1)

    def tstart(p, b):
        rb = c0 + jnp.minimum(p * _PW, ncols - _PW)
        pltpu.async_copy(
            table_hbm.at[:, pl.ds(rb * 128, _PW * 128)], buf.at[b], tsems[b])

    tstart(0, 0)
    tstart(1, 1)

    def scan_stage(st, cnt):
        pltpu.sync_copy(idx_hbm.at[pl.ds(st * 1024, 1024)], idxb)

        def scan_chunk(k, cnt):
            chunk = idxb[pl.ds(k * 16, 16)]
            m = jnp.logical_and(chunk >= lo, chunk < hi)
            js = st * 1024 + k * 16 + lanes
            plsc.store_compressed(sidx.at[pl.ds(cnt, 16)], chunk, mask=m)
            plsc.store_compressed(sjj.at[pl.ds(cnt, 16)], js, mask=m)
            pc = lax.reduce_sum(jnp.where(m, 1, 0), axes=(0,))
            return jnp.minimum(cnt + pc, _CAP)

        return lax.fori_loop(0, 64, scan_chunk, cnt)

    cnt = lax.fori_loop(0, BATCH // 1024, scan_stage, 0)
    sidx[pl.ds(cnt, 16)] = jnp.full((16,), jnp.int32(0x7FFFFFF0))
    nchunks = (cnt + 15) // 16

    def extract(bufref, rbase, wlo, whi, cnt2):

        def chunk_body(k, cnt2):
            chunk = sidx[pl.ds(k * 16, 16)]
            m = jnp.logical_and(chunk >= wlo, chunk < whi)

            def has_work(state):
                m, _ = state
                return lax.reduce_or(m, axes=(0,))

            def one(state):
                m, cnt2 = state
                l = plsc.all_reduce_ffs(m)
                sel = lanes == l
                lc = lax.reduce_max(
                    jnp.where(sel, chunk - rbase, 0), axes=(0,))
                vlo = plsc.load_gather(bufref, [lanes, jnp.full((16,), lc)])
                vhi = plsc.load_gather(
                    bufref, [lanes + 16, jnp.full((16,), lc)])
                plsc.store_scatter(
                    rows, [jnp.full((16,), cnt2), lanes], vlo)
                plsc.store_scatter(
                    rows, [jnp.full((16,), cnt2), lanes + 16], vhi)
                return jnp.logical_and(m, jnp.logical_not(sel)), cnt2 + 1

            plsc.store_compressed(jbuf.at[pl.ds(cnt2, 16)],
                                  sjj[pl.ds(k * 16, 16)], mask=m)
            _, cnt2 = lax.while_loop(has_work, one, (m, cnt2))
            return cnt2

        return lax.fori_loop(0, nchunks, chunk_body, cnt2)

    def flush(fired, upto):
        def fire(k, _):
            plsc.store_scatter(
                jc2, [jnp.full((16,), k), lanes], jbuf[pl.ds(k * 16, 16)])
            pltpu.async_copy(
                rows.at[pl.ds(k * 16, 16)],
                outc_hbm.at[jc2.at[k]],
                ssem,
            )
            return 0

        lax.fori_loop(fired, upto, fire, 0)
        return upto

    def pass_group(g, state):
        cnt2, fired = state
        for b in range(2):
            p = g * 2 + b

            def do(state, p=p, b=b):
                cnt2, fired = state
                rb = c0 + jnp.minimum(p * _PW, ncols - _PW)
                pltpu.make_async_copy(
                    table_hbm.at[:, pl.ds(rb * 128, _PW * 128)],
                    buf.at[b], tsems[b]).wait()
                wlo = (c0 + p * _PW) * 128
                whi = jnp.minimum(c0 + (p + 1) * _PW, c1) * 128
                cnt2 = extract(buf.at[b], rb * 128, wlo, whi, cnt2)

                @pl.when(p + 2 < npass)
                def _():
                    tstart(p + 2, b)

                fired = flush(fired, cnt2 // 16)
                return cnt2, fired

            cnt2, fired = lax.cond(p < npass, do, lambda s: s, (cnt2, fired))
        return cnt2, fired

    cnt2, fired = lax.fori_loop(0, (_MAXPASS + 1) // 2, pass_group, (0, 0))

    @pl.when(wid == _NW - 1)
    def _():
        pltpu.sync_copy(tail_hbm, tailb)

    cnt2 = jnp.where(
        wid == _NW - 1,
        extract(tailb, _TAIL0, _TAIL0, NUM_EMB, cnt2),
        cnt2,
    )

    jbuf[pl.ds(cnt2, 16)] = BATCH + (wid * 16 + lanes)
    nfinal = (cnt2 + 15) // 16
    fired = flush(fired, nfinal)

    def drain(k, _):
        pltpu.make_async_copy(
            rows.at[pl.ds(0, 16)],
            outc_hbm.at[jc2.at[0]],
            ssem,
        ).wait()
        return 0

    lax.fori_loop(0, nfinal, drain, 0)


def _transpose_block(i_ref, o_ref):
    o_ref[...] = i_ref[:, :DIM].T


_transpose = pl.pallas_call(
    _transpose_block,
    grid=(BATCH // 128,),
    in_specs=[pl.BlockSpec((128, 128), lambda j: (j, 0))],
    out_specs=pl.BlockSpec((DIM, 128), lambda j: (0, j)),
    out_shape=jax.ShapeDtypeStruct((DIM, BATCH), jnp.float32),
)


@jax.jit
def kernel(indices, table):
    tail = lax.slice(table, (_TAIL0, 0), (NUM_EMB, DIM)).T
    outc = _select(indices.astype(jnp.int32), table.T, tail)
    out_t = _transpose(outc)
    return out_t.T

# --- scband reference (transcript-rebuilt; emitter-appended) ---
"""Pipeline reference for scband-embedding-64622077935959 (READ-ONLY COPY).

The authoritative reference and input builder live on the scoring server;
editing this copy changes nothing except your own understanding.
"""

import jax, jax.numpy as jnp
import numpy as np

NUM_EMBEDDINGS = 1000000
EMBEDDING_DIM = 32

def setup_inputs(seed: int = 0) -> dict:
    key = jax.random.key(seed)
    k_idx, k_tab = jax.random.split(key)
    indices = jax.random.randint(k_idx, (16384,), 0, NUM_EMBEDDINGS, dtype=jnp.int64 if jax.config.read('jax_enable_x64') else jnp.int32)
    table = jax.random.normal(k_tab, (NUM_EMBEDDINGS, EMBEDDING_DIM), dtype=jnp.float32)
    return {"indices": indices, "table": table}

def reference(indices, table):
    # Faithful translation of Embedding.forward: a plain embedding lookup
    # (no normalizer / constrainer configured). If indices were None, all
    # embeddings would be returned; here indices are provided.
    x = jnp.take(table, indices, axis=0)
    return x

if __name__ == "__main__":
    import jax
    _d = setup_inputs()
    print(jax.jit(kernel)(*tuple(_d.values())))

</pallas_src>

<mosaic_0001>
#map = affine_map<(d0, d1) -> (0)>
#map1 = affine_map<(d0, d1) -> (0, 0)>
module attributes {stable_mosaic.version = 14 : i64} {
  func.func @_select(%arg0: i32, %arg1: i32, %arg2: memref<16384xi32, #tpu.memory_space<hbm>>, %arg3: memref<32x1000000xf32, #tpu.memory_space<hbm>>, %arg4: memref<32x64xf32, #tpu.memory_space<hbm>>, %arg5: memref<16896x128xf32, #tpu.memory_space<hbm>>, %arg6: memref<1024xi32, #tpu.memory_space<vmem>>, %arg7: memref<656xi32, #tpu.memory_space<vmem>>, %arg8: memref<656xi32, #tpu.memory_space<vmem>>, %arg9: memref<656xi32, #tpu.memory_space<vmem>>, %arg10: memref<2x32x512xf32, #tpu.memory_space<vmem>>, %arg11: memref<656x128xf32, #tpu.memory_space<vmem>>, %arg12: memref<41x16xi32, #tpu.memory_space<vmem>>, %arg13: memref<32x64xf32, #tpu.memory_space<vmem>>, %arg14: memref<!tpu.dma_semaphore, #tpu.memory_space<semaphore_mem>>, %arg15: memref<!tpu.dma_semaphore, #tpu.memory_space<semaphore_mem>>, %arg16: memref<!tpu.dma_semaphore, #tpu.memory_space<semaphore_mem>>) attributes {dimension_semantics = [#tpu.dimension_semantics<core_parallel>, #tpu.dimension_semantics<subcore_parallel>], iteration_bounds = array<i64: 2, 16>, scalar_prefetch = 0 : i64, scratch_operands = 11 : i64, tpu.core_type = #tpu.core_type<sc_vector_subcore>, window_params = [{transform_indices = #map}, {transform_indices = #map1}, {transform_indices = #map1}, {transform_indices = #map1}]} {
    %mul3A = arith.constant 2 : i32
    %mul3A_0 = arith.muli %arg1, %mul3A : i32
    %add3A = arith.addi %mul3A_0, %arg0 : i32
    %mul3A_1 = arith.constant 7812 : i32
    %mul3A_2 = arith.muli %add3A, %mul3A_1 : i32
    %jit3A = arith.constant 32 : i32
    %div3A = arith.divsi %mul3A_2, %jit3A : i32
    %sign3A = arith.constant 0 : i32
    %sign3A_3 = arith.cmpi sgt, %mul3A_2, %sign3A : i32
    %sign3A_4 = arith.extui %sign3A_3 : i1 to i32
    %sign3A_5 = arith.constant 0 : i32
    %sign3A_6 = arith.cmpi slt, %mul3A_2, %sign3A_5 : i32
    %sign3A_7 = arith.extui %sign3A_6 : i1 to i32
    %sign3A_8 = arith.subi %sign3A_4, %sign3A_7 : i32
    %sign3A_9 = arith.constant 0 : i32
    %sign3A_10 = arith.cmpi sgt, %jit3A, %sign3A_9 : i32
    %sign3A_11 = arith.extui %sign3A_10 : i1 to i32
    %sign3A_12 = arith.constant 0 : i32
    %sign3A_13 = arith.cmpi slt, %jit3A, %sign3A_12 : i32
    %sign3A_14 = arith.extui %sign3A_13 : i1 to i32
    %sign3A_15 = arith.subi %sign3A_11, %sign3A_14 : i32
    %ne3A = arith.cmpi ne, %sign3A_8, %sign3A_15 : i32
    %rem3A = arith.remsi %mul3A_2, %jit3A : i32
    %ne3A_16 = arith.constant 0 : i32
    %ne3A_17 = arith.cmpi ne, %rem3A, %ne3A_16 : i32
    %and3A = arith.andi %ne3A, %ne3A_17 : i1
    %sub3A = arith.constant 1 : i32
    %sub3A_18 = arith.subi %div3A, %sub3A : i32
    %select_n3A = arith.select %and3A, %sub3A_18, %div3A : i32
    %add3A_19 = arith.constant 1 : i32
    %add3A_20 = arith.addi %add3A, %add3A_19 : i32
    %mul3A_21 = arith.constant 7812 : i32
    %mul3A_22 = arith.muli %add3A_20, %mul3A_21 : i32
    %jit3A_23 = arith.constant 32 : i32
    %div3A_24 = arith.divsi %mul3A_22, %jit3A_23 : i32
    %sign3A_25 = arith.constant 0 : i32
    %sign3A_26 = arith.cmpi sgt, %mul3A_22, %sign3A_25 : i32
    %sign3A_27 = arith.extui %sign3A_26 : i1 to i32
    %sign3A_28 = arith.constant 0 : i32
    %sign3A_29 = arith.cmpi slt, %mul3A_22, %sign3A_28 : i32
    %sign3A_30 = arith.extui %sign3A_29 : i1 to i32
    %sign3A_31 = arith.subi %sign3A_27, %sign3A_30 : i32
    %sign3A_32 = arith.constant 0 : i32
    %sign3A_33 = arith.cmpi sgt, %jit3A_23, %sign3A_32 : i32
    %sign3A_34 = arith.extui %sign3A_33 : i1 to i32
    %sign3A_35 = arith.constant 0 : i32
    %sign3A_36 = arith.cmpi slt, %jit3A_23, %sign3A_35 : i32
    %sign3A_37 = arith.extui %sign3A_36 : i1 to i32
    %sign3A_38 = arith.subi %sign3A_34, %sign3A_37 : i32
    %ne3A_39 = arith.cmpi ne, %sign3A_31, %sign3A_38 : i32
    %rem3A_40 = arith.remsi %mul3A_22, %jit3A_23 : i32
    %ne3A_41 = arith.constant 0 : i32
    %ne3A_42 = arith.cmpi ne, %rem3A_40, %ne3A_41 : i32
    %and3A_43 = arith.andi %ne3A_39, %ne3A_42 : i1
    %sub3A_44 = arith.constant 1 : i32
    %sub3A_45 = arith.subi %div3A_24, %sub3A_44 : i32
    %select_n3A_46 = arith.select %and3A_43, %sub3A_45, %div3A_24 : i32
    %sub3A_47 = arith.subi %select_n3A_46, %select_n3A : i32
    %add3A_48 = arith.constant 4 : i32
    %add3A_49 = arith.addi %sub3A_47, %add3A_48 : i32
    %sub3A_50 = arith.constant 1 : i32
    %sub3A_51 = arith.subi %add3A_49, %sub3A_50 : i32
    %jit3A_52 = arith.constant 4 : i32
    %div3A_53 = arith.divsi %sub3A_51, %jit3A_52 : i32
    %sign3A_54 = arith.constant 0 : i32
    %sign3A_55 = arith.cmpi sgt, %sub3A_51, %sign3A_54 : i32
    %sign3A_56 = arith.extui %sign3A_55 : i1 to i32
    %sign3A_57 = arith.constant 0 : i32
    %sign3A_58 = arith.cmpi slt, %sub3A_51, %sign3A_57 : i32
    %sign3A_59 = arith.extui %sign3A_58 : i1 to i32
    %sign3A_60 = arith.subi %sign3A_56, %sign3A_59 : i32
    %sign3A_61 = arith.constant 0 : i32
    %sign3A_62 = arith.cmpi sgt, %jit3A_52, %sign3A_61 : i32
    %sign3A_63 = arith.extui %sign3A_62 : i1 to i32
    %sign3A_64 = arith.constant 0 : i32
    %sign3A_65 = arith.cmpi slt, %jit3A_52, %sign3A_64 : i32
    %sign3A_66 = arith.extui %sign3A_65 : i1 to i32
    %sign3A_67 = arith.subi %sign3A_63, %sign3A_66 : i32
    %ne3A_68 = arith.cmpi ne, %sign3A_60, %sign3A_67 : i32
    %rem3A_69 = arith.remsi %sub3A_51, %jit3A_52 : i32
    %ne3A_70 = arith.constant 0 : i32
    %ne3A_71 = arith.cmpi ne, %rem3A_69, %ne3A_70 : i32
    %and3A_72 = arith.andi %ne3A_68, %ne3A_71 : i1
    %sub3A_73 = arith.constant 1 : i32
    %sub3A_74 = arith.subi %div3A_53, %sub3A_73 : i32
    %select_n3A_75 = arith.select %and3A_72, %sub3A_74, %div3A_53 : i32
    %iota3A = tpu.iota {dimensions = array<i32: 0>} : vector<16xi32>
    %mul3A_76 = arith.constant 128 : i32
    %mul3A_77 = arith.muli %select_n3A, %mul3A_76 : i32
    %eq3A = arith.constant 31 : i32
    %eq3A_78 = arith.cmpi eq, %add3A, %eq3A : i32
    %mul3A_79 = arith.constant 128 : i32
    %mul3A_80 = arith.muli %select_n3A_46, %mul3A_79 : i32
    %jit3A_81 = arith.constant 1000000 : i32
    %select_n3A_82 = arith.select %eq3A_78, %jit3A_81, %mul3A_80 : i32
    %sub3A_83 = arith.constant 4 : i32
    %sub3A_84 = arith.subi %sub3A_47, %sub3A_83 : i32
    %min3A = arith.constant 0 : i32
    %min3A_85 = arith.minsi %min3A, %sub3A_84 : i32
    %add3A_86 = arith.addi %select_n3A, %min3A_85 : i32
    %mul3A_87 = arith.constant 128 : i32
    %mul3A_88 = arith.muli %add3A_86, %mul3A_87 : i32
    %dma_start3A = arith.constant 0 : i32
    %dma_start3A_89 = arith.constant 0 : i32
    %dma_start3A_90 = arith.constant 0 : i32
    %dma_start3A_91 = tpu.memref_slice %arg10[%dma_start3A, %dma_start3A_89, %dma_start3A_90] : memref<2x32x512xf32, #tpu.memory_space<vmem>> -> memref<1x32x512xf32, #tpu.memory_space<vmem>>
    %dma_start3A_92 = tpu.memref_squeeze %dma_start3A_91 : memref<1x32x512xf32, #tpu.memory_space<vmem>> -> memref<32x512xf32, #tpu.memory_space<vmem>>
    %dma_start3A_93 = arith.constant 0 : i32
    %dma_start3A_94 = tpu.memref_slice %arg3[%dma_start3A_93, %mul3A_88] : memref<32x1000000xf32, #tpu.memory_space<hbm>> -> memref<32x512xf32, #tpu.memory_space<hbm>>
    %dma_start3A_95 = arith.constant 0 : i32
    %dma_start3A_96 = arith.constant 0 : i32
    %dma_start3A_97 = tpu.memref_slice %arg10[%dma_start3A, %dma_start3A_95, %dma_start3A_96] : memref<2x32x512xf32, #tpu.memory_space<vmem>> -> memref<1x32x512xf32, #tpu.memory_space<vmem>>
    %dma_start3A_98 = tpu.memref_squeeze %dma_start3A_97 : memref<1x32x512xf32, #tpu.memory_space<vmem>> -> memref<32x512xf32, #tpu.memory_space<vmem>>
    %dma_start3A_99 = arith.constant 0 : i32
    %dma_start3A_100 = tpu.memref_slice %arg3[%dma_start3A_99, %mul3A_88] : memref<32x1000000xf32, #tpu.memory_space<hbm>> -> memref<32x512xf32, #tpu.memory_space<hbm>>
    tpu.enqueue_dma source(%dma_start3A_100 : memref<32x512xf32, #tpu.memory_space<hbm>>) target(%dma_start3A_98 : memref<32x512xf32, #tpu.memory_space<vmem>>) target_semaphore(%arg14 : memref<!tpu.dma_semaphore, #tpu.memory_space<semaphore_mem>>)
    %sub3A_101 = arith.constant 4 : i32
    %sub3A_102 = arith.subi %sub3A_47, %sub3A_101 : i32
    %min3A_103 = arith.constant 4 : i32
    %min3A_104 = arith.minsi %min3A_103, %sub3A_102 : i32
    %add3A_105 = arith.addi %select_n3A, %min3A_104 : i32
    %mul3A_106 = arith.constant 128 : i32
    %mul3A_107 = arith.muli %add3A_105, %mul3A_106 : i32
    %dma_start3A_108 = arith.constant 1 : i32
    %dma_start3A_109 = arith.constant 0 : i32
    %dma_start3A_110 = arith.constant 0 : i32
    %dma_start3A_111 = tpu.memref_slice %arg10[%dma_start3A_108, %dma_start3A_109, %dma_start3A_110] : memref<2x32x512xf32, #tpu.memory_space<vmem>> -> memref<1x32x512xf32, #tpu.memory_space<vmem>>
    %dma_start3A_112 = tpu.memref_squeeze %dma_start3A_111 : memref<1x32x512xf32, #tpu.memory_space<vmem>> -> memref<32x512xf32, #tpu.memory_space<vmem>>
    %dma_start3A_113 = arith.constant 0 : i32
    %dma_start3A_114 = tpu.memref_slice %arg3[%dma_start3A_113, %mul3A_107] : memref<32x1000000xf32, #tpu.memory_space<hbm>> -> memref<32x512xf32, #tpu.memory_space<hbm>>
    %dma_start3A_115 = arith.constant 0 : i32
    %dma_start3A_116 = arith.constant 0 : i32
    %dma_start3A_117 = tpu.memref_slice %arg10[%dma_start3A_108, %dma_start3A_115, %dma_start3A_116] : memref<2x32x512xf32, #tpu.memory_space<vmem>> -> memref<1x32x512xf32, #tpu.memory_space<vmem>>
    %dma_start3A_118 = tpu.memref_squeeze %dma_start3A_117 : memref<1x32x512xf32, #tpu.memory_space<vmem>> -> memref<32x512xf32, #tpu.memory_space<vmem>>
    %dma_start3A_119 = arith.constant 0 : i32
    %dma_start3A_120 = tpu.memref_slice %arg3[%dma_start3A_119, %mul3A_107] : memref<32x1000000xf32, #tpu.memory_space<hbm>> -> memref<32x512xf32, #tpu.memory_space<hbm>>
    tpu.enqueue_dma source(%dma_start3A_120 : memref<32x512xf32, #tpu.memory_space<hbm>>) target(%dma_start3A_118 : memref<32x512xf32, #tpu.memory_space<vmem>>) target_semaphore(%arg15 : memref<!tpu.dma_semaphore, #tpu.memory_space<semaphore_mem>>)
    %scan3A = arith.constant 0 : i32
    %scan3A_121 = arith.constant 0 : i32
    %scan3A_122 = arith.constant 16 : i32
    %scan3A_123 = arith.addi %scan3A_121, %scan3A_122 : i32
    %scan3A_124 = arith.constant 1 : i32
    %scan3A_125 = scf.for %scan3A_237 = %scan3A_121 to %scan3A_123 step %scan3A_124 iter_args(%scan3A_238 = %scan3A) -> (i32)  : i32 {
      %mul3A_239 = arith.constant 1024 : i32
      %mul3A_240 = arith.muli %scan3A_237, %mul3A_239 : i32
      "tpu.region"() ({
        %run_scoped3A = tpu.sem_alloc : memref<!tpu.dma_semaphore, #tpu.memory_space<semaphore_mem>>
        %dma_start3A_247 = tpu.memref_slice %arg2[%mul3A_240] : memref<16384xi32, #tpu.memory_space<hbm>> -> memref<1024xi32, #tpu.memory_space<hbm>>
        %dma_start3A_248 = tpu.memref_slice %arg2[%mul3A_240] : memref<16384xi32, #tpu.memory_space<hbm>> -> memref<1024xi32, #tpu.memory_space<hbm>>
        tpu.enqueue_dma source(%dma_start3A_248 : memref<1024xi32, #tpu.memory_space<hbm>>) target(%arg6 : memref<1024xi32, #tpu.memory_space<vmem>>) target_semaphore(%run_scoped3A : memref<!tpu.dma_semaphore, #tpu.memory_space<semaphore_mem>>)
        %dma_wait3A = tpu.memref_slice %arg2[%mul3A_240] : memref<16384xi32, #tpu.memory_space<hbm>> -> memref<1024xi32, #tpu.memory_space<hbm>>
        %dma_wait3A_249 = tpu.memref_slice %arg2[%mul3A_240] : memref<16384xi32, #tpu.memory_space<hbm>> -> memref<1024xi32, #tpu.memory_space<hbm>>
        tpu.wait_dma2 semaphore(%run_scoped3A : memref<!tpu.dma_semaphore, #tpu.memory_space<semaphore_mem>>) src(%dma_wait3A_249 : memref<1024xi32, #tpu.memory_space<hbm>>) dst(%arg6 : memref<1024xi32, #tpu.memory_space<vmem>>)
        tpu.yield
      }) : () -> ()
      %scan3A_241 = arith.constant 0 : i32
      %scan3A_242 = arith.constant 64 : i32
      %scan3A_243 = arith.addi %scan3A_241, %scan3A_242 : i32
      %scan3A_244 = arith.constant 1 : i32
      %scan3A_245 = scf.for %scan3A_247 = %scan3A_241 to %scan3A_243 step %scan3A_244 iter_args(%scan3A_248 = %scan3A_238) -> (i32)  : i32 {
        %mul3A_249 = arith.constant 16 : i32
        %mul3A_250 = arith.muli %scan3A_247, %mul3A_249 : i32
        %get3A = arith.index_cast %mul3A_250 : i32 to index
        %get3A_251 = tpu.vector_load %arg6[%get3A] {strides = array<i32>} : memref<1024xi32, #tpu.memory_space<vmem>>, vector<16xi32>,
        %ge3A = vector.broadcast %mul3A_77 : i32 to vector<16xi32>
        %ge3A_252 = arith.cmpi sge, %get3A_251, %ge3A : vector<16xi32>
        %lt3A = vector.broadcast %select_n3A_82 : i32 to vector<16xi32>
        %lt3A_253 = arith.cmpi slt, %get3A_251, %lt3A : vector<16xi32>
        %and3A_254 = arith.andi %ge3A_252, %lt3A_253 : vector<16xi1>
        %mul3A_255 = arith.constant 1024 : i32
        %mul3A_256 = arith.muli %scan3A_237, %mul3A_255 : i32
        %mul3A_257 = arith.constant 16 : i32
        %mul3A_258 = arith.muli %scan3A_247, %mul3A_257 : i32
        %add3A_259 = arith.addi %mul3A_256, %mul3A_258 : i32
        %add3A_260 = vector.broadcast %add3A_259 : i32 to vector<16xi32>
        %add3A_261 = arith.addi %add3A_260, %iota3A : vector<16xi32>
        %swap3A_262 = arith.index_cast %scan3A_248 : i32 to index
        %swap3A_263 = tpu.vector_load %arg7[%swap3A_262] masked %and3A_254 {strides = array<i32>} : memref<656xi32, #tpu.memory_space<vmem>>, vector<16xi32>, vector<16xi1>
        tpu.vector_store %arg7[%swap3A_262], %get3A_251 masked %and3A_254 {strides = array<i32>} : memref<656xi32, #tpu.memory_space<vmem>>, vector<16xi32>, vector<16xi1>
        %swap3A_264 = arith.index_cast %scan3A_248 : i32 to index
        %swap3A_265 = tpu.vector_load %arg8[%swap3A_264] masked %and3A_254 {strides = array<i32>} : memref<656xi32, #tpu.memory_space<vmem>>, vector<16xi32>, vector<16xi1>
        tpu.vector_store %arg8[%swap3A_264], %add3A_261 masked %and3A_254 {strides = array<i32>} : memref<656xi32, #tpu.memory_space<vmem>>, vector<16xi32>, vector<16xi1>
        %jit3A_266 = arith.constant 1 : i32
        %jit3A_267 = arith.constant 0 : i32
        %broadcast_in_dim3A_268 = vector.broadcast %jit3A_266 : i32 to vector<16xi32>
        %broadcast_in_dim3A_269 = vector.broadcast %jit3A_267 : i32 to vector<16xi32>
        %select_n3A_270 = arith.select %and3A_254, %broadcast_in_dim3A_268, %broadcast_in_dim3A_269 : vector<16xi1>, vector<16xi32>
        %reduce_sum3A = arith.constant true
        %reduce_sum3A_271 = vector.broadcast %reduce_sum3A : i1 to vector<16xi1>
        %reduce_sum3A_272 = tpu.scan <sum>, %select_n3A_270 masked %reduce_sum3A_271 : vector<16xi32>, vector<16xi1> -> vector<16xi32>
        %reduce_sum3A_273 = vector.extract %reduce_sum3A_272[15] : i32 from vector<16xi32>
        %add3A_274 = arith.addi %scan3A_248, %reduce_sum3A_273 : i32
        %min3A_275 = arith.constant 640 : i32
        %min3A_276 = arith.minsi %add3A_274, %min3A_275 : i32
        scf.yield %min3A_276 : i32
      }
      %scan3A_246 = arith.constant 64 : i32
      scf.yield %scan3A_245 : i32
    }
    %scan3A_126 = arith.constant 16 : i32
    %broadcast_in_dim3A = arith.constant 2147483632 : i32
    %broadcast_in_dim3A_127 = vector.broadcast %broadcast_in_dim3A : i32 to vector<16xi32>
    %swap3A = arith.index_cast %scan3A_125 : i32 to index
    %swap3A_128 = tpu.vector_load %arg7[%swap3A] {strides = array<i32>} : memref<656xi32, #tpu.memory_space<vmem>>, vector<16xi32>,
    tpu.vector_store %arg7[%swap3A], %broadcast_in_dim3A_127 {strides = array<i32>} : memref<656xi32, #tpu.memory_space<vmem>>, vector<16xi32>,
    %add3A_129 = arith.constant 15 : i32
    %add3A_130 = arith.addi %scan3A_125, %add3A_129 : i32
    %jit3A_131 = arith.constant 16 : i32
    %div3A_132 = arith.divsi %add3A_130, %jit3A_131 : i32
    %sign3A_133 = arith.constant 0 : i32
    %sign3A_134 = arith.cmpi sgt, %add3A_130, %sign3A_133 : i32
    %sign3A_135 = arith.extui %sign3A_134 : i1 to i32
    %sign3A_136 = arith.constant 0 : i32
    %sign3A_137 = arith.cmpi slt, %add3A_130, %sign3A_136 : i32
    %sign3A_138 = arith.extui %sign3A_137 : i1 to i32
    %sign3A_139 = arith.subi %sign3A_135, %sign3A_138 : i32
    %sign3A_140 = arith.constant 0 : i32
    %sign3A_141 = arith.cmpi sgt, %jit3A_131, %sign3A_140 : i32
    %sign3A_142 = arith.extui %sign3A_141 : i1 to i32
    %sign3A_143 = arith.constant 0 : i32
    %sign3A_144 = arith.cmpi slt, %jit3A_131, %sign3A_143 : i32
    %sign3A_145 = arith.extui %sign3A_144 : i1 to i32
    %sign3A_146 = arith.subi %sign3A_142, %sign3A_145 : i32
    %ne3A_147 = arith.cmpi ne, %sign3A_139, %sign3A_146 : i32
    %rem3A_148 = arith.remsi %add3A_130, %jit3A_131 : i32
    %ne3A_149 = arith.constant 0 : i32
    %ne3A_150 = arith.cmpi ne, %rem3A_148, %ne3A_149 : i32
    %and3A_151 = arith.andi %ne3A_147, %ne3A_150 : i1
    %sub3A_152 = arith.constant 1 : i32
    %sub3A_153 = arith.subi %div3A_132, %sub3A_152 : i32
    %select_n3A_154 = arith.select %and3A_151, %sub3A_153, %div3A_132 : i32
    %scan3A_155 = arith.constant 0 : i32
    %scan3A_156 = arith.constant 0 : i32
    %scan3A_157 = arith.constant 0 : i32
    %scan3A_158 = arith.constant 31 : i32
    %scan3A_159 = arith.addi %scan3A_157, %scan3A_158 : i32
    %scan3A_160 = arith.constant 1 : i32
    %scan3A_161:2 = scf.for %scan3A_237 = %scan3A_157 to %scan3A_159 step %scan3A_160 iter_args(%scan3A_238 = %scan3A_155, %scan3A_239 = %scan3A_156) -> (i32, i32)  : i32 {
      %mul3A_240 = arith.constant 2 : i32
      %mul3A_241 = arith.muli %scan3A_237, %mul3A_240 : i32
      %add3A_242 = arith.constant 0 : i32
      %add3A_243 = arith.addi %mul3A_241, %add3A_242 : i32
      %lt3A = arith.cmpi slt, %add3A_243, %select_n3A_75 : i32
      %convert_element_type3A_244 = arith.extui %lt3A : i1 to i32
      %cond3A_245 = arith.constant 0 : i32
      %cond3A_246 = arith.cmpi ne, %convert_element_type3A_244, %cond3A_245 : i32
      %cond3A_247:2 = scf.if %cond3A_246 -> (i32, i32) {
        %mul3A_257 = arith.constant 4 : i32
        %mul3A_258 = arith.muli %add3A_243, %mul3A_257 : i32
        %sub3A_259 = arith.constant 4 : i32
        %sub3A_260 = arith.subi %sub3A_47, %sub3A_259 : i32
        %min3A_261 = arith.minsi %mul3A_258, %sub3A_260 : i32
        %add3A_262 = arith.addi %select_n3A, %min3A_261 : i32
        %mul3A_263 = arith.constant 128 : i32
        %mul3A_264 = arith.muli %add3A_262, %mul3A_263 : i32
        %dma_wait3A = arith.constant 0 : i32
        %dma_wait3A_265 = arith.constant 0 : i32
        %dma_wait3A_266 = arith.constant 0 : i32
        %dma_wait3A_267 = tpu.memref_slice %arg10[%dma_wait3A, %dma_wait3A_265, %dma_wait3A_266] : memref<2x32x512xf32, #tpu.memory_space<vmem>> -> memref<1x32x512xf32, #tpu.memory_space<vmem>>
        %dma_wait3A_268 = tpu.memref_squeeze %dma_wait3A_267 : memref<1x32x512xf32, #tpu.memory_space<vmem>> -> memref<32x512xf32, #tpu.memory_space<vmem>>
        %dma_wait3A_269 = arith.constant 0 : i32
        %dma_wait3A_270 = tpu.memref_slice %arg3[%dma_wait3A_269, %mul3A_264] : memref<32x1000000xf32, #tpu.memory_space<hbm>> -> memref<32x512xf32, #tpu.memory_space<hbm>>
        %dma_wait3A_271 = arith.constant 0 : i32
        %dma_wait3A_272 = arith.constant 0 : i32
        %dma_wait3A_273 = tpu.memref_slice %arg10[%dma_wait3A, %dma_wait3A_271, %dma_wait3A_272] : memref<2x32x512xf32, #tpu.memory_space<vmem>> -> memref<1x32x512xf32, #tpu.memory_space<vmem>>
        %dma_wait3A_274 = tpu.memref_squeeze %dma_wait3A_273 : memref<1x32x512xf32, #tpu.memory_space<vmem>> -> memref<32x512xf32, #tpu.memory_space<vmem>>
        %dma_wait3A_275 = arith.constant 0 : i32
        %dma_wait3A_276 = tpu.memref_slice %arg3[%dma_wait3A_275, %mul3A_264] : memref<32x1000000xf32, #tpu.memory_space<hbm>> -> memref<32x512xf32, #tpu.memory_space<hbm>>
        tpu.wait_dma2 semaphore(%arg14 : memref<!tpu.dma_semaphore, #tpu.memory_space<semaphore_mem>>) src(%dma_wait3A_276 : memref<32x512xf32, #tpu.memory_space<hbm>>) dst(%dma_wait3A_274 : memref<32x512xf32, #tpu.memory_space<vmem>>)
        %mul3A_277 = arith.constant 4 : i32
        %mul3A_278 = arith.muli %add3A_243, %mul3A_277 : i32
        %add3A_279 = arith.addi %select_n3A, %mul3A_278 : i32
        %mul3A_280 = arith.constant 128 : i32
        %mul3A_281 = arith.muli %add3A_279, %mul3A_280 : i32
        %add3A_282 = arith.constant 1 : i32
        %add3A_283 = arith.addi %add3A_243, %add3A_282 : i32
        %mul3A_284 = arith.constant 4 : i32
        %mul3A_285 = arith.muli %add3A_283, %mul3A_284 : i32
        %add3A_286 = arith.addi %select_n3A, %mul3A_285 : i32
        %min3A_287 = arith.minsi %add3A_286, %select_n3A_46 : i32
        %mul3A_288 = arith.constant 128 : i32
        %mul3A_289 = arith.muli %min3A_287, %mul3A_288 : i32
        %mul3A_290 = arith.constant 128 : i32
        %mul3A_291 = arith.muli %add3A_262, %mul3A_290 : i32
        %while3A_292 = arith.constant 0 : i32
        %while3A_293 = arith.constant 0 : i32
        %while3A_294 = arith.subi %select_n3A_154, %while3A_293 : i32
        %while3A_295 = arith.addi %while3A_293, %while3A_294 : i32
        %while3A_296 = arith.constant 1 : i32
        %while3A_297 = arith.divsi %while3A_294, %while3A_296 : i32
        %while3A_298 = arith.muli %while3A_297, %while3A_296 : i32
        %while3A_299 = arith.addi %while3A_293, %while3A_298 : i32
        %while3A_300 = arith.constant 1 : i32
        %while3A_301 = scf.for %while3A_345 = %while3A_293 to %while3A_299 step %while3A_300 iter_args(%while3A_346 = %scan3A_238) -> (i32)  : i32 {
          %mul3A_347 = arith.constant 16 : i32
          %mul3A_348 = arith.muli %while3A_345, %mul3A_347 : i32
          %get3A = arith.index_cast %mul3A_348 : i32 to index
          %get3A_349 = tpu.vector_load %arg7[%get3A] {strides = array<i32>} : memref<656xi32, #tpu.memory_space<vmem>>, vector<16xi32>,
          %ge3A = vector.broadcast %mul3A_281 : i32 to vector<16xi32>
          %ge3A_350 = arith.cmpi sge, %get3A_349, %ge3A : vector<16xi32>
          %lt3A_351 = vector.broadcast %mul3A_289 : i32 to vector<16xi32>
          %lt3A_352 = arith.cmpi slt, %get3A_349, %lt3A_351 : vector<16xi32>
          %and3A_353 = arith.andi %ge3A_350, %lt3A_352 : vector<16xi1>
          %mul3A_354 = arith.constant 16 : i32
          %mul3A_355 = arith.muli %while3A_345, %mul3A_354 : i32
          %get3A_356 = arith.index_cast %mul3A_355 : i32 to index
          %get3A_357 = tpu.vector_load %arg8[%get3A_356] {strides = array<i32>} : memref<656xi32, #tpu.memory_space<vmem>>, vector<16xi32>,
          %swap3A_358 = arith.index_cast %while3A_346 : i32 to index
          %swap3A_359 = tpu.vector_load %arg9[%swap3A_358] masked %and3A_353 {strides = array<i32>} : memref<656xi32, #tpu.memory_space<vmem>>, vector<16xi32>, vector<16xi1>
          tpu.vector_store %arg9[%swap3A_358], %get3A_357 masked %and3A_353 {strides = array<i32>} : memref<656xi32, #tpu.memory_space<vmem>>, vector<16xi32>, vector<16xi1>
          %while3A_360:2 = scf.while (%while3A_361 = %and3A_353, %while3A_362 = %while3A_346) : (vector<16xi1>, i32) -> (vector<16xi1>, i32) {
            %reduce_or3A = arith.constant 1.000000e+00 : f32
            %reduce_or3A_363 = arith.constant 0.000000e+00 : f32
            %reduce_or3A_364 = vector.broadcast %reduce_or3A : f32 to vector<16xf32>
            %reduce_or3A_365 = vector.broadcast %reduce_or3A_363 : f32 to vector<16xf32>
            %reduce_or3A_366 = arith.select %while3A_361, %reduce_or3A_364, %reduce_or3A_365 : vector<16xi1>, vector<16xf32>
            %reduce_or3A_367 = arith.constant true
            %reduce_or3A_368 = vector.broadcast %reduce_or3A_367 : i1 to vector<16xi1>
            %reduce_or3A_369 = tpu.scan <max>, %reduce_or3A_366 masked %reduce_or3A_368 : vector<16xf32>, vector<16xi1> -> vector<16xf32>
            %reduce_or3A_370 = vector.extract %reduce_or3A_369[15] : f32 from vector<16xf32>
            %reduce_or3A_371 = arith.constant 0.000000e+00 : f32
            %reduce_or3A_372 = arith.cmpf ogt, %reduce_or3A_370, %reduce_or3A_371 : f32
            scf.condition(%reduce_or3A_372) %while3A_361, %while3A_362 : vector<16xi1>, i32
          } do {
          ^bb0(%while3A_361: vector<16xi1>, %while3A_362: i32):
            %all_reduce_ffs3A = tpu.all_reduce %while3A_361 {dim = 0 : i64, kind = #tpu.reduction_kind<find_first_set>} : vector<16xi1> -> vector<16xi32>
            %eq3A_363 = arith.cmpi eq, %iota3A, %all_reduce_ffs3A : vector<16xi32>
            %sub3A_364 = vector.broadcast %mul3A_291 : i32 to vector<16xi32>
            %sub3A_365 = arith.subi %get3A_349, %sub3A_364 : vector<16xi32>
            %jit3A_366 = arith.constant 0 : i32
            %broadcast_in_dim3A_367 = vector.broadcast %jit3A_366 : i32 to vector<16xi32>
            %select_n3A_368 = arith.select %eq3A_363, %sub3A_365, %broadcast_in_dim3A_367 : vector<16xi1>, vector<16xi32>
            %reduce_max3A = arith.constant true
            %reduce_max3A_369 = vector.broadcast %reduce_max3A : i1 to vector<16xi1>
            %reduce_max3A_370 = arith.constant -2147483648 : i32
            %reduce_max3A_371 = vector.broadcast %reduce_max3A_370 : i32 to vector<16xi32>
            %reduce_max3A_372 = arith.xori %select_n3A_368, %reduce_max3A_371 : vector<16xi32>
            %reduce_max3A_373 = tpu.scan <max>, %reduce_max3A_372 masked %reduce_max3A_369 : vector<16xi32>, vector<16xi1> -> vector<16xi32>
            %reduce_max3A_374 = arith.xori %reduce_max3A_373, %reduce_max3A_371 : vector<16xi32>
            %reduce_max3A_375 = vector.extract %reduce_max3A_374[15] : i32 from vector<16xi32>
            %broadcast_in_dim3A_376 = vector.broadcast %reduce_max3A_375 : i32 to vector<16xi32>
            %gather3A = arith.constant 0 : i32
            %gather3A_377 = arith.constant 0 : i32
            %gather3A_378 = tpu.memref_slice %arg10[%while3A_292, %gather3A, %gather3A_377] : memref<2x32x512xf32, #tpu.memory_space<vmem>> -> memref<1x32x512xf32, #tpu.memory_space<vmem>>
            %gather3A_379 = tpu.memref_squeeze %gather3A_378 : memref<1x32x512xf32, #tpu.memory_space<vmem>> -> memref<32x512xf32, #tpu.memory_space<vmem>>
            %gather3A_380 = tpu.vector_load_idx %gather3A_379[%iota3A, %broadcast_in_dim3A_376] : memref<32x512xf32, #tpu.memory_space<vmem>>[vector<16xi32>, vector<16xi32>], vector<16xf32>,
            %add3A_381 = arith.constant 16 : i32
            %add3A_382 = vector.broadcast %add3A_381 : i32 to vector<16xi32>
            %add3A_383 = arith.addi %iota3A, %add3A_382 : vector<16xi32>
            %broadcast_in_dim3A_384 = vector.broadcast %reduce_max3A_375 : i32 to vector<16xi32>
            %gather3A_385 = arith.constant 0 : i32
            %gather3A_386 = arith.constant 0 : i32
            %gather3A_387 = tpu.memref_slice %arg10[%while3A_292, %gather3A_385, %gather3A_386] : memref<2x32x512xf32, #tpu.memory_space<vmem>> -> memref<1x32x512xf32, #tpu.memory_space<vmem>>
            %gather3A_388 = tpu.memref_squeeze %gather3A_387 : memref<1x32x512xf32, #tpu.memory_space<vmem>> -> memref<32x512xf32, #tpu.memory_space<vmem>>
            %gather3A_389 = tpu.vector_load_idx %gather3A_388[%add3A_383, %broadcast_in_dim3A_384] : memref<32x512xf32, #tpu.memory_space<vmem>>[vector<16xi32>, vector<16xi32>], vector<16xf32>,
            %broadcast_in_dim3A_390 = vector.broadcast %while3A_362 : i32 to vector<16xi32>
            tpu.vector_store_idx %arg11[%broadcast_in_dim3A_390, %iota3A], %gather3A_380 : memref<656x128xf32, #tpu.memory_space<vmem>>[vector<16xi32>, vector<16xi32>], vector<16xf32>,
            %broadcast_in_dim3A_391 = vector.broadcast %while3A_362 : i32 to vector<16xi32>
            %add3A_392 = arith.constant 16 : i32
            %add3A_393 = vector.broadcast %add3A_392 : i32 to vector<16xi32>
            %add3A_394 = arith.addi %iota3A, %add3A_393 : vector<16xi32>
            tpu.vector_store_idx %arg11[%broadcast_in_dim3A_391, %add3A_394], %gather3A_389 : memref<656x128xf32, #tpu.memory_space<vmem>>[vector<16xi32>, vector<16xi32>], vector<16xf32>,
            %not3A = arith.constant dense<true> : vector<16xi1>
            %not3A_395 = arith.xori %eq3A_363, %not3A : vector<16xi1>
            %and3A_396 = arith.andi %while3A_361, %not3A_395 : vector<16xi1>
            %add3A_397 = arith.constant 1 : i32
            %add3A_398 = arith.addi %while3A_362, %add3A_397 : i32
            scf.yield %and3A_396, %add3A_398 : vector<16xi1>, i32
          }
          scf.yield %while3A_360#1 : i32
        }
        %while3A_302 = arith.constant 1 : i32
        %while3A_303 = scf.for %while3A_345 = %while3A_299 to %while3A_295 step %while3A_302 iter_args(%while3A_346 = %while3A_301) -> (i32)  : i32 {
          %mul3A_347 = arith.constant 16 : i32
          %mul3A_348 = arith.muli %while3A_345, %mul3A_347 : i32
          %get3A = arith.index_cast %mul3A_348 : i32 to index
          %get3A_349 = tpu.vector_load %arg7[%get3A] {strides = array<i32>} : memref<656xi32, #tpu.memory_space<vmem>>, vector<16xi32>,
          %ge3A = vector.broadcast %mul3A_281 : i32 to vector<16xi32>
          %ge3A_350 = arith.cmpi sge, %get3A_349, %ge3A : vector<16xi32>
          %lt3A_351 = vector.broadcast %mul3A_289 : i32 to vector<16xi32>
          %lt3A_352 = arith.cmpi slt, %get3A_349, %lt3A_351 : vector<16xi32>
          %and3A_353 = arith.andi %ge3A_350, %lt3A_352 : vector<16xi1>
          %mul3A_354 = arith.constant 16 : i32
          %mul3A_355 = arith.muli %while3A_345, %mul3A_354 : i32
          %get3A_356 = arith.index_cast %mul3A_355 : i32 to index
          %get3A_357 = tpu.vector_load %arg8[%get3A_356] {strides = array<i32>} : memref<656xi32, #tpu.memory_space<vmem>>, vector<16xi32>,
          %swap3A_358 = arith.index_cast %while3A_346 : i32 to index
          %swap3A_359 = tpu.vector_load %arg9[%swap3A_358] masked %and3A_353 {strides = array<i32>} : memref<656xi32, #tpu.memory_space<vmem>>, vector<16xi32>, vector<16xi1>
          tpu.vector_store %arg9[%swap3A_358], %get3A_357 masked %and3A_353 {strides = array<i32>} : memref<656xi32, #tpu.memory_space<vmem>>, vector<16xi32>, vector<16xi1>
          %while3A_360:2 = scf.while (%while3A_361 = %and3A_353, %while3A_362 = %while3A_346) : (vector<16xi1>, i32) -> (vector<16xi1>, i32) {
            %reduce_or3A = arith.constant 1.000000e+00 : f32
            %reduce_or3A_363 = arith.constant 0.000000e+00 : f32
            %reduce_or3A_364 = vector.broadcast %reduce_or3A : f32 to vector<16xf32>
            %reduce_or3A_365 = vector.broadcast %reduce_or3A_363 : f32 to vector<16xf32>
            %reduce_or3A_366 = arith.select %while3A_361, %reduce_or3A_364, %reduce_or3A_365 : vector<16xi1>, vector<16xf32>
            %reduce_or3A_367 = arith.constant true
            %reduce_or3A_368 = vector.broadcast %reduce_or3A_367 : i1 to vector<16xi1>
            %reduce_or3A_369 = tpu.scan <max>, %reduce_or3A_366 masked %reduce_or3A_368 : vector<16xf32>, vector<16xi1> -> vector<16xf32>
            %reduce_or3A_370 = vector.extract %reduce_or3A_369[15] : f32 from vector<16xf32>
            %reduce_or3A_371 = arith.constant 0.000000e+00 : f32
            %reduce_or3A_372 = arith.cmpf ogt, %reduce_or3A_370, %reduce_or3A_371 : f32
            scf.condition(%reduce_or3A_372) %while3A_361, %while3A_362 : vector<16xi1>, i32
          } do {
          ^bb0(%while3A_361: vector<16xi1>, %while3A_362: i32):
            %all_reduce_ffs3A = tpu.all_reduce %while3A_361 {dim = 0 : i64, kind = #tpu.reduction_kind<find_first_set>} : vector<16xi1> -> vector<16xi32>
            %eq3A_363 = arith.cmpi eq, %iota3A, %all_reduce_ffs3A : vector<16xi32>
            %sub3A_364 = vector.broadcast %mul3A_291 : i32 to vector<16xi32>
            %sub3A_365 = arith.subi %get3A_349, %sub3A_364 : vector<16xi32>
            %jit3A_366 = arith.constant 0 : i32
            %broadcast_in_dim3A_367 = vector.broadcast %jit3A_366 : i32 to vector<16xi32>
            %select_n3A_368 = arith.select %eq3A_363, %sub3A_365, %broadcast_in_dim3A_367 : vector<16xi1>, vector<16xi32>
            %reduce_max3A = arith.constant true
            %reduce_max3A_369 = vector.broadcast %reduce_max3A : i1 to vector<16xi1>
            %reduce_max3A_370 = arith.constant -2147483648 : i32
            %reduce_max3A_371 = vector.broadcast %reduce_max3A_370 : i32 to vector<16xi32>
            %reduce_max3A_372 = arith.xori %select_n3A_368, %reduce_max3A_371 : vector<16xi32>
            %reduce_max3A_373 = tpu.scan <max>, %reduce_max3A_372 masked %reduce_max3A_369 : vector<16xi32>, vector<16xi1> -> vector<16xi32>
            %reduce_max3A_374 = arith.xori %reduce_max3A_373, %reduce_max3A_371 : vector<16xi32>
            %reduce_max3A_375 = vector.extract %reduce_max3A_374[15] : i32 from vector<16xi32>
            %broadcast_in_dim3A_376 = vector.broadcast %reduce_max3A_375 : i32 to vector<16xi32>
            %gather3A = arith.constant 0 : i32
            %gather3A_377 = arith.constant 0 : i32
            %gather3A_378 = tpu.memref_slice %arg10[%while3A_292, %gather3A, %gather3A_377] : memref<2x32x512xf32, #tpu.memory_space<vmem>> -> memref<1x32x512xf32, #tpu.memory_space<vmem>>
            %gather3A_379 = tpu.memref_squeeze %gather3A_378 : memref<1x32x512xf32, #tpu.memory_space<vmem>> -> memref<32x512xf32, #tpu.memory_space<vmem>>
            %gather3A_380 = tpu.vector_load_idx %gather3A_379[%iota3A, %broadcast_in_dim3A_376] : memref<32x512xf32, #tpu.memory_space<vmem>>[vector<16xi32>, vector<16xi32>], vector<16xf32>,
            %add3A_381 = arith.constant 16 : i32
            %add3A_382 = vector.broadcast %add3A_381 : i32 to vector<16xi32>
            %add3A_383 = arith.addi %iota3A, %add3A_382 : vector<16xi32>
            %broadcast_in_dim3A_384 = vector.broadcast %reduce_max3A_375 : i32 to vector<16xi32>
            %gather3A_385 = arith.constant 0 : i32
            %gather3A_386 = arith.constant 0 : i32
            %gather3A_387 = tpu.memref_slice %arg10[%while3A_292, %gather3A_385, %gather3A_386] : memref<2x32x512xf32, #tpu.memory_space<vmem>> -> memref<1x32x512xf32, #tpu.memory_space<vmem>>
            %gather3A_388 = tpu.memref_squeeze %gather3A_387 : memref<1x32x512xf32, #tpu.memory_space<vmem>> -> memref<32x512xf32, #tpu.memory_space<vmem>>
            %gather3A_389 = tpu.vector_load_idx %gather3A_388[%add3A_383, %broadcast_in_dim3A_384] : memref<32x512xf32, #tpu.memory_space<vmem>>[vector<16xi32>, vector<16xi32>], vector<16xf32>,
            %broadcast_in_dim3A_390 = vector.broadcast %while3A_362 : i32 to vector<16xi32>
            tpu.vector_store_idx %arg11[%broadcast_in_dim3A_390, %iota3A], %gather3A_380 : memref<656x128xf32, #tpu.memory_space<vmem>>[vector<16xi32>, vector<16xi32>], vector<16xf32>,
            %broadcast_in_dim3A_391 = vector.broadcast %while3A_362 : i32 to vector<16xi32>
            %add3A_392 = arith.constant 16 : i32
            %add3A_393 = vector.broadcast %add3A_392 : i32 to vector<16xi32>
            %add3A_394 = arith.addi %iota3A, %add3A_393 : vector<16xi32>
            tpu.vector_store_idx %arg11[%broadcast_in_dim3A_391, %add3A_394], %gather3A_389 : memref<656x128xf32, #tpu.memory_space<vmem>>[vector<16xi32>, vector<16xi32>], vector<16xf32>,
            %not3A = arith.constant dense<true> : vector<16xi1>
            %not3A_395 = arith.xori %eq3A_363, %not3A : vector<16xi1>
            %and3A_396 = arith.andi %while3A_361, %not3A_395 : vector<16xi1>
            %add3A_397 = arith.constant 1 : i32
            %add3A_398 = arith.addi %while3A_362, %add3A_397 : i32
            scf.yield %and3A_396, %add3A_398 : vector<16xi1>, i32
          }
          scf.yield %while3A_360#1 : i32
        }
        %add3A_304 = arith.constant 2 : i32
        %add3A_305 = arith.addi %add3A_243, %add3A_304 : i32
        %lt3A_306 = arith.cmpi slt, %add3A_305, %select_n3A_75 : i32
        %convert_element_type3A_307 = arith.extui %lt3A_306 : i1 to i32
        %cond3A_308 = arith.constant 0 : i32
        %cond3A_309 = arith.cmpi ne, %convert_element_type3A_307, %cond3A_308 : i32
        scf.if %cond3A_309 {
          %add3A_345 = arith.constant 2 : i32
          %add3A_346 = arith.addi %add3A_243, %add3A_345 : i32
          %mul3A_347 = arith.constant 4 : i32
          %mul3A_348 = arith.muli %add3A_346, %mul3A_347 : i32
          %sub3A_349 = arith.constant 4 : i32
          %sub3A_350 = arith.subi %sub3A_47, %sub3A_349 : i32
          %min3A_351 = arith.minsi %mul3A_348, %sub3A_350 : i32
          %add3A_352 = arith.addi %select_n3A, %min3A_351 : i32
          %mul3A_353 = arith.constant 128 : i32
          %mul3A_354 = arith.muli %add3A_352, %mul3A_353 : i32
          %dma_start3A_355 = arith.constant 0 : i32
          %dma_start3A_356 = arith.constant 0 : i32
          %dma_start3A_357 = arith.constant 0 : i32
          %dma_start3A_358 = tpu.memref_slice %arg10[%dma_start3A_355, %dma_start3A_356, %dma_start3A_357] : memref<2x32x512xf32, #tpu.memory_space<vmem>> -> memref<1x32x512xf32, #tpu.memory_space<vmem>>
          %dma_start3A_359 = tpu.memref_squeeze %dma_start3A_358 : memref<1x32x512xf32, #tpu.memory_space<vmem>> -> memref<32x512xf32, #tpu.memory_space<vmem>>
          %dma_start3A_360 = arith.constant 0 : i32
          %dma_start3A_361 = tpu.memref_slice %arg3[%dma_start3A_360, %mul3A_354] : memref<32x1000000xf32, #tpu.memory_space<hbm>> -> memref<32x512xf32, #tpu.memory_space<hbm>>
          %dma_start3A_362 = arith.constant 0 : i32
          %dma_start3A_363 = arith.constant 0 : i32
          %dma_start3A_364 = tpu.memref_slice %arg10[%dma_start3A_355, %dma_start3A_362, %dma_start3A_363] : memref<2x32x512xf32, #tpu.memory_space<vmem>> -> memref<1x32x512xf32, #tpu.memory_space<vmem>>
          %dma_start3A_365 = tpu.memref_squeeze %dma_start3A_364 : memref<1x32x512xf32, #tpu.memory_space<vmem>> -> memref<32x512xf32, #tpu.memory_space<vmem>>
          %dma_start3A_366 = arith.constant 0 : i32
          %dma_start3A_367 = tpu.memref_slice %arg3[%dma_start3A_366, %mul3A_354] : memref<32x1000000xf32, #tpu.memory_space<hbm>> -> memref<32x512xf32, #tpu.memory_space<hbm>>
          tpu.enqueue_dma source(%dma_start3A_367 : memref<32x512xf32, #tpu.memory_space<hbm>>) target(%dma_start3A_365 : memref<32x512xf32, #tpu.memory_space<vmem>>) target_semaphore(%arg14 : memref<!tpu.dma_semaphore, #tpu.memory_space<semaphore_mem>>)
        } else {
        }
        %jit3A_310 = arith.constant 16 : i32
        %div3A_311 = arith.divsi %while3A_303, %jit3A_310 : i32
        %sign3A_312 = arith.constant 0 : i32
        %sign3A_313 = arith.cmpi sgt, %while3A_303, %sign3A_312 : i32
        %sign3A_314 = arith.extui %sign3A_313 : i1 to i32
        %sign3A_315 = arith.constant 0 : i32
        %sign3A_316 = arith.cmpi slt, %while3A_303, %sign3A_315 : i32
        %sign3A_317 = arith.extui %sign3A_316 : i1 to i32
        %sign3A_318 = arith.subi %sign3A_314, %sign3A_317 : i32
        %sign3A_319 = arith.constant 0 : i32
        %sign3A_320 = arith.cmpi sgt, %jit3A_310, %sign3A_319 : i32
        %sign3A_321 = arith.extui %sign3A_320 : i1 to i32
        %sign3A_322 = arith.constant 0 : i32
        %sign3A_323 = arith.cmpi slt, %jit3A_310, %sign3A_322 : i32
        %sign3A_324 = arith.extui %sign3A_323 : i1 to i32
        %sign3A_325 = arith.subi %sign3A_321, %sign3A_324 : i32
        %ne3A_326 = arith.cmpi ne, %sign3A_318, %sign3A_325 : i32
        %rem3A_327 = arith.remsi %while3A_303, %jit3A_310 : i32
        %ne3A_328 = arith.constant 0 : i32
        %ne3A_329 = arith.cmpi ne, %rem3A_327, %ne3A_328 : i32
        %and3A_330 = arith.andi %ne3A_326, %ne3A_329 : i1
        %sub3A_331 = arith.constant 1 : i32
        %sub3A_332 = arith.subi %div3A_311, %sub3A_331 : i32
        %select_n3A_333 = arith.select %and3A_330, %sub3A_332, %div3A_311 : i32
        %while3A_334 = arith.constant 0 : i32
        %while3A_335 = arith.subi %select_n3A_333, %scan3A_239 : i32
        %while3A_336 = arith.addi %scan3A_239, %while3A_335 : i32
        %while3A_337 = arith.constant 1 : i32
        %while3A_338 = arith.divsi %while3A_335, %while3A_337 : i32
        %while3A_339 = arith.muli %while3A_338, %while3A_337 : i32
        %while3A_340 = arith.addi %scan3A_239, %while3A_339 : i32
        %while3A_341 = arith.constant 1 : i32
        %while3A_342 = scf.for %while3A_345 = %scan3A_239 to %while3A_340 step %while3A_341 iter_args(%while3A_346 = %while3A_334) -> (i32)  : i32 {
          %broadcast_in_dim3A_347 = vector.broadcast %while3A_345 : i32 to vector<16xi32>
          %mul3A_348 = arith.constant 16 : i32
          %mul3A_349 = arith.muli %while3A_345, %mul3A_348 : i32
          %get3A = arith.index_cast %mul3A_349 : i32 to index
          %get3A_350 = tpu.vector_load %arg9[%get3A] {strides = array<i32>} : memref<656xi32, #tpu.memory_space<vmem>>, vector<16xi32>,
          tpu.vector_store_idx %arg12[%broadcast_in_dim3A_347, %iota3A], %get3A_350 : memref<41x16xi32, #tpu.memory_space<vmem>>[vector<16xi32>, vector<16xi32>], vector<16xi32>,
          %mul3A_351 = arith.constant 16 : i32
          %mul3A_352 = arith.muli %while3A_345, %mul3A_351 : i32
          %dma_start3A_353 = arith.constant 0 : i32
          %dma_start3A_354 = tpu.memref_slice %arg11[%mul3A_352, %dma_start3A_353] : memref<656x128xf32, #tpu.memory_space<vmem>> -> memref<16x128xf32, #tpu.memory_space<vmem>>
          %dma_start3A_355 = arith.constant 0 : i32
          %dma_start3A_356 = tpu.memref_slice %arg12[%while3A_345, %dma_start3A_355] : memref<41x16xi32, #tpu.memory_space<vmem>> -> memref<1x16xi32, #tpu.memory_space<vmem>>
          %dma_start3A_357 = tpu.memref_squeeze %dma_start3A_356 : memref<1x16xi32, #tpu.memory_space<vmem>> -> memref<16xi32, #tpu.memory_space<vmem>>
          %dma_start3A_358 = arith.constant 0 : i32
          %dma_start3A_359 = arith.constant 0 : i32
          %dma_start3A_360 = tpu.memref_slice %arg5[%dma_start3A_358, %dma_start3A_359] : memref<16896x128xf32, #tpu.memory_space<hbm>> -> memref<16896x128xf32, #tpu.memory_space<hbm>>
          tpu.enqueue_indirect_dma source(%dma_start3A_354 : memref<16x128xf32, #tpu.memory_space<vmem>>) target(%dma_start3A_360 : memref<16896x128xf32, #tpu.memory_space<hbm>>) offsets(%dma_start3A_357 : memref<16xi32, #tpu.memory_space<vmem>>) semaphore(%arg16 : memref<!tpu.dma_semaphore, #tpu.memory_space<semaphore_mem>>)
          %while3A_361 = arith.constant 0 : i32
          scf.yield %while3A_361 : i32
        }
        %while3A_343 = arith.constant 1 : i32
        %while3A_344 = scf.for %while3A_345 = %while3A_340 to %while3A_336 step %while3A_343 iter_args(%while3A_346 = %while3A_342) -> (i32)  : i32 {
          %broadcast_in_dim3A_347 = vector.broadcast %while3A_345 : i32 to vector<16xi32>
          %mul3A_348 = arith.constant 16 : i32
          %mul3A_349 = arith.muli %while3A_345, %mul3A_348 : i32
          %get3A = arith.index_cast %mul3A_349 : i32 to index
          %get3A_350 = tpu.vector_load %arg9[%get3A] {strides = array<i32>} : memref<656xi32, #tpu.memory_space<vmem>>, vector<16xi32>,
          tpu.vector_store_idx %arg12[%broadcast_in_dim3A_347, %iota3A], %get3A_350 : memref<41x16xi32, #tpu.memory_space<vmem>>[vector<16xi32>, vector<16xi32>], vector<16xi32>,
          %mul3A_351 = arith.constant 16 : i32
          %mul3A_352 = arith.muli %while3A_345, %mul3A_351 : i32
          %dma_start3A_353 = arith.constant 0 : i32
          %dma_start3A_354 = tpu.memref_slice %arg11[%mul3A_352, %dma_start3A_353] : memref<656x128xf32, #tpu.memory_space<vmem>> -> memref<16x128xf32, #tpu.memory_space<vmem>>
          %dma_start3A_355 = arith.constant 0 : i32
          %dma_start3A_356 = tpu.memref_slice %arg12[%while3A_345, %dma_start3A_355] : memref<41x16xi32, #tpu.memory_space<vmem>> -> memref<1x16xi32, #tpu.memory_space<vmem>>
          %dma_start3A_357 = tpu.memref_squeeze %dma_start3A_356 : memref<1x16xi32, #tpu.memory_space<vmem>> -> memref<16xi32, #tpu.memory_space<vmem>>
          %dma_start3A_358 = arith.constant 0 : i32
          %dma_start3A_359 = arith.constant 0 : i32
          %dma_start3A_360 = tpu.memref_slice %arg5[%dma_start3A_358, %dma_start3A_359] : memref<16896x128xf32, #tpu.memory_space<hbm>> -> memref<16896x128xf32, #tpu.memory_space<hbm>>
          tpu.enqueue_indirect_dma source(%dma_start3A_354 : memref<16x128xf32, #tpu.memory_space<vmem>>) target(%dma_start3A_360 : memref<16896x128xf32, #tpu.memory_space<hbm>>) offsets(%dma_start3A_357 : memref<16xi32, #tpu.memory_space<vmem>>) semaphore(%arg16 : memref<!tpu.dma_semaphore, #tpu.memory_space<semaphore_mem>>)
          %while3A_361 = arith.constant 0 : i32
          scf.yield %while3A_361 : i32
        }
        scf.yield %while3A_303, %select_n3A_333 : i32, i32
      } else {
        scf.yield %scan3A_238, %scan3A_239 : i32, i32
      }
      %mul3A_248 = arith.constant 2 : i32
      %mul3A_249 = arith.muli %scan3A_237, %mul3A_248 : i32
      %add3A_250 = arith.constant 1 : i32
      %add3A_251 = arith.addi %mul3A_249, %add3A_250 : i32
      %lt3A_252 = arith.cmpi slt, %add3A_251, %select_n3A_75 : i32
      %convert_element_type3A_253 = arith.extui %lt3A_252 : i1 to i32
      %cond3A_254 = arith.constant 0 : i32
      %cond3A_255 = arith.cmpi ne, %convert_element_type3A_253, %cond3A_254 : i32
      %cond3A_256:2 = scf.if %cond3A_255 -> (i32, i32) {
        %mul3A_257 = arith.constant 4 : i32
        %mul3A_258 = arith.muli %add3A_251, %mul3A_257 : i32
        %sub3A_259 = arith.constant 4 : i32
        %sub3A_260 = arith.subi %sub3A_47, %sub3A_259 : i32
        %min3A_261 = arith.minsi %mul3A_258, %sub3A_260 : i32
        %add3A_262 = arith.addi %select_n3A, %min3A_261 : i32
        %mul3A_263 = arith.constant 128 : i32
        %mul3A_264 = arith.muli %add3A_262, %mul3A_263 : i32
        %dma_wait3A = arith.constant 1 : i32
        %dma_wait3A_265 = arith.constant 0 : i32
        %dma_wait3A_266 = arith.constant 0 : i32
        %dma_wait3A_267 = tpu.memref_slice %arg10[%dma_wait3A, %dma_wait3A_265, %dma_wait3A_266] : memref<2x32x512xf32, #tpu.memory_space<vmem>> -> memref<1x32x512xf32, #tpu.memory_space<vmem>>
        %dma_wait3A_268 = tpu.memref_squeeze %dma_wait3A_267 : memref<1x32x512xf32, #tpu.memory_space<vmem>> -> memref<32x512xf32, #tpu.memory_space<vmem>>
        %dma_wait3A_269 = arith.constant 0 : i32
        %dma_wait3A_270 = tpu.memref_slice %arg3[%dma_wait3A_269, %mul3A_264] : memref<32x1000000xf32, #tpu.memory_space<hbm>> -> memref<32x512xf32, #tpu.memory_space<hbm>>
        %dma_wait3A_271 = arith.constant 0 : i32
        %dma_wait3A_272 = arith.constant 0 : i32
        %dma_wait3A_273 = tpu.memref_slice %arg10[%dma_wait3A, %dma_wait3A_271, %dma_wait3A_272] : memref<2x32x512xf32, #tpu.memory_space<vmem>> -> memref<1x32x512xf32, #tpu.memory_space<vmem>>
        %dma_wait3A_274 = tpu.memref_squeeze %dma_wait3A_273 : memref<1x32x512xf32, #tpu.memory_space<vmem>> -> memref<32x512xf32, #tpu.memory_space<vmem>>
        %dma_wait3A_275 = arith.constant 0 : i32
        %dma_wait3A_276 = tpu.memref_slice %arg3[%dma_wait3A_275, %mul3A_264] : memref<32x1000000xf32, #tpu.memory_space<hbm>> -> memref<32x512xf32, #tpu.memory_space<hbm>>
        tpu.wait_dma2 semaphore(%arg15 : memref<!tpu.dma_semaphore, #tpu.memory_space<semaphore_mem>>) src(%dma_wait3A_276 : memref<32x512xf32, #tpu.memory_space<hbm>>) dst(%dma_wait3A_274 : memref<32x512xf32, #tpu.memory_space<vmem>>)
        %mul3A_277 = arith.constant 4 : i32
        %mul3A_278 = arith.muli %add3A_251, %mul3A_277 : i32
        %add3A_279 = arith.addi %select_n3A, %mul3A_278 : i32
        %mul3A_280 = arith.constant 128 : i32
        %mul3A_281 = arith.muli %add3A_279, %mul3A_280 : i32
        %add3A_282 = arith.constant 1 : i32
        %add3A_283 = arith.addi %add3A_251, %add3A_282 : i32
        %mul3A_284 = arith.constant 4 : i32
        %mul3A_285 = arith.muli %add3A_283, %mul3A_284 : i32
        %add3A_286 = arith.addi %select_n3A, %mul3A_285 : i32
        %min3A_287 = arith.minsi %add3A_286, %select_n3A_46 : i32
        %mul3A_288 = arith.constant 128 : i32
        %mul3A_289 = arith.muli %min3A_287, %mul3A_288 : i32
        %mul3A_290 = arith.constant 128 : i32
        %mul3A_291 = arith.muli %add3A_262, %mul3A_290 : i32
        %while3A_292 = arith.constant 1 : i32
        %while3A_293 = arith.constant 0 : i32
        %while3A_294 = arith.subi %select_n3A_154, %while3A_293 : i32
        %while3A_295 = arith.addi %while3A_293, %while3A_294 : i32
        %while3A_296 = arith.constant 1 : i32
        %while3A_297 = arith.divsi %while3A_294, %while3A_296 : i32
        %while3A_298 = arith.muli %while3A_297, %while3A_296 : i32
        %while3A_299 = arith.addi %while3A_293, %while3A_298 : i32
        %while3A_300 = arith.constant 1 : i32
        %while3A_301 = scf.for %while3A_345 = %while3A_293 to %while3A_299 step %while3A_300 iter_args(%while3A_346 = %cond3A_247#0) -> (i32)  : i32 {
          %mul3A_347 = arith.constant 16 : i32
          %mul3A_348 = arith.muli %while3A_345, %mul3A_347 : i32
          %get3A = arith.index_cast %mul3A_348 : i32 to index
          %get3A_349 = tpu.vector_load %arg7[%get3A] {strides = array<i32>} : memref<656xi32, #tpu.memory_space<vmem>>, vector<16xi32>,
          %ge3A = vector.broadcast %mul3A_281 : i32 to vector<16xi32>
          %ge3A_350 = arith.cmpi sge, %get3A_349, %ge3A : vector<16xi32>
          %lt3A_351 = vector.broadcast %mul3A_289 : i32 to vector<16xi32>
          %lt3A_352 = arith.cmpi slt, %get3A_349, %lt3A_351 : vector<16xi32>
          %and3A_353 = arith.andi %ge3A_350, %lt3A_352 : vector<16xi1>
          %mul3A_354 = arith.constant 16 : i32
          %mul3A_355 = arith.muli %while3A_345, %mul3A_354 : i32
          %get3A_356 = arith.index_cast %mul3A_355 : i32 to index
          %get3A_357 = tpu.vector_load %arg8[%get3A_356] {strides = array<i32>} : memref<656xi32, #tpu.memory_space<vmem>>, vector<16xi32>,
          %swap3A_358 = arith.index_cast %while3A_346 : i32 to index
          %swap3A_359 = tpu.vector_load %arg9[%swap3A_358] masked %and3A_353 {strides = array<i32>} : memref<656xi32, #tpu.memory_space<vmem>>, vector<16xi32>, vector<16xi1>
          tpu.vector_store %arg9[%swap3A_358], %get3A_357 masked %and3A_353 {strides = array<i32>} : memref<656xi32, #tpu.memory_space<vmem>>, vector<16xi32>, vector<16xi1>
          %while3A_360:2 = scf.while (%while3A_361 = %and3A_353, %while3A_362 = %while3A_346) : (vector<16xi1>, i32) -> (vector<16xi1>, i32) {
            %reduce_or3A = arith.constant 1.000000e+00 : f32
            %reduce_or3A_363 = arith.constant 0.000000e+00 : f32
            %reduce_or3A_364 = vector.broadcast %reduce_or3A : f32 to vector<16xf32>
            %reduce_or3A_365 = vector.broadcast %reduce_or3A_363 : f32 to vector<16xf32>
            %reduce_or3A_366 = arith.select %while3A_361, %reduce_or3A_364, %reduce_or3A_365 : vector<16xi1>, vector<16xf32>
            %reduce_or3A_367 = arith.constant true
            %reduce_or3A_368 = vector.broadcast %reduce_or3A_367 : i1 to vector<16xi1>
            %reduce_or3A_369 = tpu.scan <max>, %reduce_or3A_366 masked %reduce_or3A_368 : vector<16xf32>, vector<16xi1> -> vector<16xf32>
            %reduce_or3A_370 = vector.extract %reduce_or3A_369[15] : f32 from vector<16xf32>
            %reduce_or3A_371 = arith.constant 0.000000e+00 : f32
            %reduce_or3A_372 = arith.cmpf ogt, %reduce_or3A_370, %reduce_or3A_371 : f32
            scf.condition(%reduce_or3A_372) %while3A_361, %while3A_362 : vector<16xi1>, i32
          } do {
          ^bb0(%while3A_361: vector<16xi1>, %while3A_362: i32):
            %all_reduce_ffs3A = tpu.all_reduce %while3A_361 {dim = 0 : i64, kind = #tpu.reduction_kind<find_first_set>} : vector<16xi1> -> vector<16xi32>
            %eq3A_363 = arith.cmpi eq, %iota3A, %all_reduce_ffs3A : vector<16xi32>
            %sub3A_364 = vector.broadcast %mul3A_291 : i32 to vector<16xi32>
            %sub3A_365 = arith.subi %get3A_349, %sub3A_364 : vector<16xi32>
            %jit3A_366 = arith.constant 0 : i32
            %broadcast_in_dim3A_367 = vector.broadcast %jit3A_366 : i32 to vector<16xi32>
            %select_n3A_368 = arith.select %eq3A_363, %sub3A_365, %broadcast_in_dim3A_367 : vector<16xi1>, vector<16xi32>
            %reduce_max3A = arith.constant true
            %reduce_max3A_369 = vector.broadcast %reduce_max3A : i1 to vector<16xi1>
            %reduce_max3A_370 = arith.constant -2147483648 : i32
            %reduce_max3A_371 = vector.broadcast %reduce_max3A_370 : i32 to vector<16xi32>
            %reduce_max3A_372 = arith.xori %select_n3A_368, %reduce_max3A_371 : vector<16xi32>
            %reduce_max3A_373 = tpu.scan <max>, %reduce_max3A_372 masked %reduce_max3A_369 : vector<16xi32>, vector<16xi1> -> vector<16xi32>
            %reduce_max3A_374 = arith.xori %reduce_max3A_373, %reduce_max3A_371 : vector<16xi32>
            %reduce_max3A_375 = vector.extract %reduce_max3A_374[15] : i32 from vector<16xi32>
            %broadcast_in_dim3A_376 = vector.broadcast %reduce_max3A_375 : i32 to vector<16xi32>
            %gather3A = arith.constant 0 : i32
            %gather3A_377 = arith.constant 0 : i32
            %gather3A_378 = tpu.memref_slice %arg10[%while3A_292, %gather3A, %gather3A_377] : memref<2x32x512xf32, #tpu.memory_space<vmem>> -> memref<1x32x512xf32, #tpu.memory_space<vmem>>
            %gather3A_379 = tpu.memref_squeeze %gather3A_378 : memref<1x32x512xf32, #tpu.memory_space<vmem>> -> memref<32x512xf32, #tpu.memory_space<vmem>>
            %gather3A_380 = tpu.vector_load_idx %gather3A_379[%iota3A, %broadcast_in_dim3A_376] : memref<32x512xf32, #tpu.memory_space<vmem>>[vector<16xi32>, vector<16xi32>], vector<16xf32>,
            %add3A_381 = arith.constant 16 : i32
            %add3A_382 = vector.broadcast %add3A_381 : i32 to vector<16xi32>
            %add3A_383 = arith.addi %iota3A, %add3A_382 : vector<16xi32>
            %broadcast_in_dim3A_384 = vector.broadcast %reduce_max3A_375 : i32 to vector<16xi32>
            %gather3A_385 = arith.constant 0 : i32
            %gather3A_386 = arith.constant 0 : i32
            %gather3A_387 = tpu.memref_slice %arg10[%while3A_292, %gather3A_385, %gather3A_386] : memref<2x32x512xf32, #tpu.memory_space<vmem>> -> memref<1x32x512xf32, #tpu.memory_space<vmem>>
            %gather3A_388 = tpu.memref_squeeze %gather3A_387 : memref<1x32x512xf32, #tpu.memory_space<vmem>> -> memref<32x512xf32, #tpu.memory_space<vmem>>
            %gather3A_389 = tpu.vector_load_idx %gather3A_388[%add3A_383, %broadcast_in_dim3A_384] : memref<32x512xf32, #tpu.memory_space<vmem>>[vector<16xi32>, vector<16xi32>], vector<16xf32>,
            %broadcast_in_dim3A_390 = vector.broadcast %while3A_362 : i32 to vector<16xi32>
            tpu.vector_store_idx %arg11[%broadcast_in_dim3A_390, %iota3A], %gather3A_380 : memref<656x128xf32, #tpu.memory_space<vmem>>[vector<16xi32>, vector<16xi32>], vector<16xf32>,
            %broadcast_in_dim3A_391 = vector.broadcast %while3A_362 : i32 to vector<16xi32>
            %add3A_392 = arith.constant 16 : i32
            %add3A_393 = vector.broadcast %add3A_392 : i32 to vector<16xi32>
            %add3A_394 = arith.addi %iota3A, %add3A_393 : vector<16xi32>
            tpu.vector_store_idx %arg11[%broadcast_in_dim3A_391, %add3A_394], %gather3A_389 : memref<656x128xf32, #tpu.memory_space<vmem>>[vector<16xi32>, vector<16xi32>], vector<16xf32>,
            %not3A = arith.constant dense<true> : vector<16xi1>
            %not3A_395 = arith.xori %eq3A_363, %not3A : vector<16xi1>
            %and3A_396 = arith.andi %while3A_361, %not3A_395 : vector<16xi1>
            %add3A_397 = arith.constant 1 : i32
            %add3A_398 = arith.addi %while3A_362, %add3A_397 : i32
            scf.yield %and3A_396, %add3A_398 : vector<16xi1>, i32
          }
          scf.yield %while3A_360#1 : i32
        }
        %while3A_302 = arith.constant 1 : i32
        %while3A_303 = scf.for %while3A_345 = %while3A_299 to %while3A_295 step %while3A_302 iter_args(%while3A_346 = %while3A_301) -> (i32)  : i32 {
          %mul3A_347 = arith.constant 16 : i32
          %mul3A_348 = arith.muli %while3A_345, %mul3A_347 : i32
          %get3A = arith.index_cast %mul3A_348 : i32 to index
          %get3A_349 = tpu.vector_load %arg7[%get3A] {strides = array<i32>} : memref<656xi32, #tpu.memory_space<vmem>>, vector<16xi32>,
          %ge3A = vector.broadcast %mul3A_281 : i32 to vector<16xi32>
          %ge3A_350 = arith.cmpi sge, %get3A_349, %ge3A : vector<16xi32>
          %lt3A_351 = vector.broadcast %mul3A_289 : i32 to vector<16xi32>
          %lt3A_352 = arith.cmpi slt, %get3A_349, %lt3A_351 : vector<16xi32>
          %and3A_353 = arith.andi %ge3A_350, %lt3A_352 : vector<16xi1>
          %mul3A_354 = arith.constant 16 : i32
          %mul3A_355 = arith.muli %while3A_345, %mul3A_354 : i32
          %get3A_356 = arith.index_cast %mul3A_355 : i32 to index
          %get3A_357 = tpu.vector_load %arg8[%get3A_356] {strides = array<i32>} : memref<656xi32, #tpu.memory_space<vmem>>, vector<16xi32>,
          %swap3A_358 = arith.index_cast %while3A_346 : i32 to index
          %swap3A_359 = tpu.vector_load %arg9[%swap3A_358] masked %and3A_353 {strides = array<i32>} : memref<656xi32, #tpu.memory_space<vmem>>, vector<16xi32>, vector<16xi1>
          tpu.vector_store %arg9[%swap3A_358], %get3A_357 masked %and3A_353 {strides = array<i32>} : memref<656xi32, #tpu.memory_space<vmem>>, vector<16xi32>, vector<16xi1>
          %while3A_360:2 = scf.while (%while3A_361 = %and3A_353, %while3A_362 = %while3A_346) : (vector<16xi1>, i32) -> (vector<16xi1>, i32) {
            %reduce_or3A = arith.constant 1.000000e+00 : f32
            %reduce_or3A_363 = arith.constant 0.000000e+00 : f32
            %reduce_or3A_364 = vector.broadcast %reduce_or3A : f32 to vector<16xf32>
            %reduce_or3A_365 = vector.broadcast %reduce_or3A_363 : f32 to vector<16xf32>
            %reduce_or3A_366 = arith.select %while3A_361, %reduce_or3A_364, %reduce_or3A_365 : vector<16xi1>, vector<16xf32>
            %reduce_or3A_367 = arith.constant true
            %reduce_or3A_368 = vector.broadcast %reduce_or3A_367 : i1 to vector<16xi1>
            %reduce_or3A_369 = tpu.scan <max>, %reduce_or3A_366 masked %reduce_or3A_368 : vector<16xf32>, vector<16xi1> -> vector<16xf32>
            %reduce_or3A_370 = vector.extract %reduce_or3A_369[15] : f32 from vector<16xf32>
            %reduce_or3A_371 = arith.constant 0.000000e+00 : f32
            %reduce_or3A_372 = arith.cmpf ogt, %reduce_or3A_370, %reduce_or3A_371 : f32
            scf.condition(%reduce_or3A_372) %while3A_361, %while3A_362 : vector<16xi1>, i32
          } do {
          ^bb0(%while3A_361: vector<16xi1>, %while3A_362: i32):
            %all_reduce_ffs3A = tpu.all_reduce %while3A_361 {dim = 0 : i64, kind = #tpu.reduction_kind<find_first_set>} : vector<16xi1> -> vector<16xi32>
            %eq3A_363 = arith.cmpi eq, %iota3A, %all_reduce_ffs3A : vector<16xi32>
            %sub3A_364 = vector.broadcast %mul3A_291 : i32 to vector<16xi32>
            %sub3A_365 = arith.subi %get3A_349, %sub3A_364 : vector<16xi32>
            %jit3A_366 = arith.constant 0 : i32
            %broadcast_in_dim3A_367 = vector.broadcast %jit3A_366 : i32 to vector<16xi32>
            %select_n3A_368 = arith.select %eq3A_363, %sub3A_365, %broadcast_in_dim3A_367 : vector<16xi1>, vector<16xi32>
            %reduce_max3A = arith.constant true
            %reduce_max3A_369 = vector.broadcast %reduce_max3A : i1 to vector<16xi1>
            %reduce_max3A_370 = arith.constant -2147483648 : i32
            %reduce_max3A_371 = vector.broadcast %reduce_max3A_370 : i32 to vector<16xi32>
            %reduce_max3A_372 = arith.xori %select_n3A_368, %reduce_max3A_371 : vector<16xi32>
            %reduce_max3A_373 = tpu.scan <max>, %reduce_max3A_372 masked %reduce_max3A_369 : vector<16xi32>, vector<16xi1> -> vector<16xi32>
            %reduce_max3A_374 = arith.xori %reduce_max3A_373, %reduce_max3A_371 : vector<16xi32>
            %reduce_max3A_375 = vector.extract %reduce_max3A_374[15] : i32 from vector<16xi32>
            %broadcast_in_dim3A_376 = vector.broadcast %reduce_max3A_375 : i32 to vector<16xi32>
            %gather3A = arith.constant 0 : i32
            %gather3A_377 = arith.constant 0 : i32
            %gather3A_378 = tpu.memref_slice %arg10[%while3A_292, %gather3A, %gather3A_377] : memref<2x32x512xf32, #tpu.memory_space<vmem>> -> memref<1x32x512xf32, #tpu.memory_space<vmem>>
            %gather3A_379 = tpu.memref_squeeze %gather3A_378 : memref<1x32x512xf32, #tpu.memory_space<vmem>> -> memref<32x512xf32, #tpu.memory_space<vmem>>
            %gather3A_380 = tpu.vector_load_idx %gather3A_379[%iota3A, %broadcast_in_dim3A_376] : memref<32x512xf32, #tpu.memory_space<vmem>>[vector<16xi32>, vector<16xi32>], vector<16xf32>,
            %add3A_381 = arith.constant 16 : i32
            %add3A_382 = vector.broadcast %add3A_381 : i32 to vector<16xi32>
            %add3A_383 = arith.addi %iota3A, %add3A_382 : vector<16xi32>
            %broadcast_in_dim3A_384 = vector.broadcast %reduce_max3A_375 : i32 to vector<16xi32>
            %gather3A_385 = arith.constant 0 : i32
            %gather3A_386 = arith.constant 0 : i32
            %gather3A_387 = tpu.memref_slice %arg10[%while3A_292, %gather3A_385, %gather3A_386] : memref<2x32x512xf32, #tpu.memory_space<vmem>> -> memref<1x32x512xf32, #tpu.memory_space<vmem>>
            %gather3A_388 = tpu.memref_squeeze %gather3A_387 : memref<1x32x512xf32, #tpu.memory_space<vmem>> -> memref<32x512xf32, #tpu.memory_space<vmem>>
            %gather3A_389 = tpu.vector_load_idx %gather3A_388[%add3A_383, %broadcast_in_dim3A_384] : memref<32x512xf32, #tpu.memory_space<vmem>>[vector<16xi32>, vector<16xi32>], vector<16xf32>,
            %broadcast_in_dim3A_390 = vector.broadcast %while3A_362 : i32 to vector<16xi32>
            tpu.vector_store_idx %arg11[%broadcast_in_dim3A_390, %iota3A], %gather3A_380 : memref<656x128xf32, #tpu.memory_space<vmem>>[vector<16xi32>, vector<16xi32>], vector<16xf32>,
            %broadcast_in_dim3A_391 = vector.broadcast %while3A_362 : i32 to vector<16xi32>
            %add3A_392 = arith.constant 16 : i32
            %add3A_393 = vector.broadcast %add3A_392 : i32 to vector<16xi32>
            %add3A_394 = arith.addi %iota3A, %add3A_393 : vector<16xi32>
            tpu.vector_store_idx %arg11[%broadcast_in_dim3A_391, %add3A_394], %gather3A_389 : memref<656x128xf32, #tpu.memory_space<vmem>>[vector<16xi32>, vector<16xi32>], vector<16xf32>,
            %not3A = arith.constant dense<true> : vector<16xi1>
            %not3A_395 = arith.xori %eq3A_363, %not3A : vector<16xi1>
            %and3A_396 = arith.andi %while3A_361, %not3A_395 : vector<16xi1>
            %add3A_397 = arith.constant 1 : i32
            %add3A_398 = arith.addi %while3A_362, %add3A_397 : i32
            scf.yield %and3A_396, %add3A_398 : vector<16xi1>, i32
          }
          scf.yield %while3A_360#1 : i32
        }
        %add3A_304 = arith.constant 2 : i32
        %add3A_305 = arith.addi %add3A_251, %add3A_304 : i32
        %lt3A_306 = arith.cmpi slt, %add3A_305, %select_n3A_75 : i32
        %convert_element_type3A_307 = arith.extui %lt3A_306 : i1 to i32
        %cond3A_308 = arith.constant 0 : i32
        %cond3A_309 = arith.cmpi ne, %convert_element_type3A_307, %cond3A_308 : i32
        scf.if %cond3A_309 {
          %add3A_345 = arith.constant 2 : i32
          %add3A_346 = arith.addi %add3A_251, %add3A_345 : i32
          %mul3A_347 = arith.constant 4 : i32
          %mul3A_348 = arith.muli %add3A_346, %mul3A_347 : i32
          %sub3A_349 = arith.constant 4 : i32
          %sub3A_350 = arith.subi %sub3A_47, %sub3A_349 : i32
          %min3A_351 = arith.minsi %mul3A_348, %sub3A_350 : i32
          %add3A_352 = arith.addi %select_n3A, %min3A_351 : i32
          %mul3A_353 = arith.constant 128 : i32
          %mul3A_354 = arith.muli %add3A_352, %mul3A_353 : i32
          %dma_start3A_355 = arith.constant 1 : i32
          %dma_start3A_356 = arith.constant 0 : i32
          %dma_start3A_357 = arith.constant 0 : i32
          %dma_start3A_358 = tpu.memref_slice %arg10[%dma_start3A_355, %dma_start3A_356, %dma_start3A_357] : memref<2x32x512xf32, #tpu.memory_space<vmem>> -> memref<1x32x512xf32, #tpu.memory_space<vmem>>
          %dma_start3A_359 = tpu.memref_squeeze %dma_start3A_358 : memref<1x32x512xf32, #tpu.memory_space<vmem>> -> memref<32x512xf32, #tpu.memory_space<vmem>>
          %dma_start3A_360 = arith.constant 0 : i32
          %dma_start3A_361 = tpu.memref_slice %arg3[%dma_start3A_360, %mul3A_354] : memref<32x1000000xf32, #tpu.memory_space<hbm>> -> memref<32x512xf32, #tpu.memory_space<hbm>>
          %dma_start3A_362 = arith.constant 0 : i32
          %dma_start3A_363 = arith.constant 0 : i32
          %dma_start3A_364 = tpu.memref_slice %arg10[%dma_start3A_355, %dma_start3A_362, %dma_start3A_363] : memref<2x32x512xf32, #tpu.memory_space<vmem>> -> memref<1x32x512xf32, #tpu.memory_space<vmem>>
          %dma_start3A_365 = tpu.memref_squeeze %dma_start3A_364 : memref<1x32x512xf32, #tpu.memory_space<vmem>> -> memref<32x512xf32, #tpu.memory_space<vmem>>
          %dma_start3A_366 = arith.constant 0 : i32
          %dma_start3A_367 = tpu.memref_slice %arg3[%dma_start3A_366, %mul3A_354] : memref<32x1000000xf32, #tpu.memory_space<hbm>> -> memref<32x512xf32, #tpu.memory_space<hbm>>
          tpu.enqueue_dma source(%dma_start3A_367 : memref<32x512xf32, #tpu.memory_space<hbm>>) target(%dma_start3A_365 : memref<32x512xf32, #tpu.memory_space<vmem>>) target_semaphore(%arg15 : memref<!tpu.dma_semaphore, #tpu.memory_space<semaphore_mem>>)
        } else {
        }
        %jit3A_310 = arith.constant 16 : i32
        %div3A_311 = arith.divsi %while3A_303, %jit3A_310 : i32
        %sign3A_312 = arith.constant 0 : i32
        %sign3A_313 = arith.cmpi sgt, %while3A_303, %sign3A_312 : i32
        %sign3A_314 = arith.extui %sign3A_313 : i1 to i32
        %sign3A_315 = arith.constant 0 : i32
        %sign3A_316 = arith.cmpi slt, %while3A_303, %sign3A_315 : i32
        %sign3A_317 = arith.extui %sign3A_316 : i1 to i32
        %sign3A_318 = arith.subi %sign3A_314, %sign3A_317 : i32
        %sign3A_319 = arith.constant 0 : i32
        %sign3A_320 = arith.cmpi sgt, %jit3A_310, %sign3A_319 : i32
        %sign3A_321 = arith.extui %sign3A_320 : i1 to i32
        %sign3A_322 = arith.constant 0 : i32
        %sign3A_323 = arith.cmpi slt, %jit3A_310, %sign3A_322 : i32
        %sign3A_324 = arith.extui %sign3A_323 : i1 to i32
        %sign3A_325 = arith.subi %sign3A_321, %sign3A_324 : i32
        %ne3A_326 = arith.cmpi ne, %sign3A_318, %sign3A_325 : i32
        %rem3A_327 = arith.remsi %while3A_303, %jit3A_310 : i32
        %ne3A_328 = arith.constant 0 : i32
        %ne3A_329 = arith.cmpi ne, %rem3A_327, %ne3A_328 : i32
        %and3A_330 = arith.andi %ne3A_326, %ne3A_329 : i1
        %sub3A_331 = arith.constant 1 : i32
        %sub3A_332 = arith.subi %div3A_311, %sub3A_331 : i32
        %select_n3A_333 = arith.select %and3A_330, %sub3A_332, %div3A_311 : i32
        %while3A_334 = arith.constant 0 : i32
        %while3A_335 = arith.subi %select_n3A_333, %cond3A_247#1 : i32
        %while3A_336 = arith.addi %cond3A_247#1, %while3A_335 : i32
        %while3A_337 = arith.constant 1 : i32
        %while3A_338 = arith.divsi %while3A_335, %while3A_337 : i32
        %while3A_339 = arith.muli %while3A_338, %while3A_337 : i32
        %while3A_340 = arith.addi %cond3A_247#1, %while3A_339 : i32
        %while3A_341 = arith.constant 1 : i32
        %while3A_342 = scf.for %while3A_345 = %cond3A_247#1 to %while3A_340 step %while3A_341 iter_args(%while3A_346 = %while3A_334) -> (i32)  : i32 {
          %broadcast_in_dim3A_347 = vector.broadcast %while3A_345 : i32 to vector<16xi32>
          %mul3A_348 = arith.constant 16 : i32
          %mul3A_349 = arith.muli %while3A_345, %mul3A_348 : i32
          %get3A = arith.index_cast %mul3A_349 : i32 to index
          %get3A_350 = tpu.vector_load %arg9[%get3A] {strides = array<i32>} : memref<656xi32, #tpu.memory_space<vmem>>, vector<16xi32>,
          tpu.vector_store_idx %arg12[%broadcast_in_dim3A_347, %iota3A], %get3A_350 : memref<41x16xi32, #tpu.memory_space<vmem>>[vector<16xi32>, vector<16xi32>], vector<16xi32>,
          %mul3A_351 = arith.constant 16 : i32
          %mul3A_352 = arith.muli %while3A_345, %mul3A_351 : i32
          %dma_start3A_353 = arith.constant 0 : i32
          %dma_start3A_354 = tpu.memref_slice %arg11[%mul3A_352, %dma_start3A_353] : memref<656x128xf32, #tpu.memory_space<vmem>> -> memref<16x128xf32, #tpu.memory_space<vmem>>
          %dma_start3A_355 = arith.constant 0 : i32
          %dma_start3A_356 = tpu.memref_slice %arg12[%while3A_345, %dma_start3A_355] : memref<41x16xi32, #tpu.memory_space<vmem>> -> memref<1x16xi32, #tpu.memory_space<vmem>>
          %dma_start3A_357 = tpu.memref_squeeze %dma_start3A_356 : memref<1x16xi32, #tpu.memory_space<vmem>> -> memref<16xi32, #tpu.memory_space<vmem>>
          %dma_start3A_358 = arith.constant 0 : i32
          %dma_start3A_359 = arith.constant 0 : i32
          %dma_start3A_360 = tpu.memref_slice %arg5[%dma_start3A_358, %dma_start3A_359] : memref<16896x128xf32, #tpu.memory_space<hbm>> -> memref<16896x128xf32, #tpu.memory_space<hbm>>
          tpu.enqueue_indirect_dma source(%dma_start3A_354 : memref<16x128xf32, #tpu.memory_space<vmem>>) target(%dma_start3A_360 : memref<16896x128xf32, #tpu.memory_space<hbm>>) offsets(%dma_start3A_357 : memref<16xi32, #tpu.memory_space<vmem>>) semaphore(%arg16 : memref<!tpu.dma_semaphore, #tpu.memory_space<semaphore_mem>>)
          %while3A_361 = arith.constant 0 : i32
          scf.yield %while3A_361 : i32
        }
        %while3A_343 = arith.constant 1 : i32
        %while3A_344 = scf.for %while3A_345 = %while3A_340 to %while3A_336 step %while3A_343 iter_args(%while3A_346 = %while3A_342) -> (i32)  : i32 {
          %broadcast_in_dim3A_347 = vector.broadcast %while3A_345 : i32 to vector<16xi32>
          %mul3A_348 = arith.constant 16 : i32
          %mul3A_349 = arith.muli %while3A_345, %mul3A_348 : i32
          %get3A = arith.index_cast %mul3A_349 : i32 to index
          %get3A_350 = tpu.vector_load %arg9[%get3A] {strides = array<i32>} : memref<656xi32, #tpu.memory_space<vmem>>, vector<16xi32>,
          tpu.vector_store_idx %arg12[%broadcast_in_dim3A_347, %iota3A], %get3A_350 : memref<41x16xi32, #tpu.memory_space<vmem>>[vector<16xi32>, vector<16xi32>], vector<16xi32>,
          %mul3A_351 = arith.constant 16 : i32
          %mul3A_352 = arith.muli %while3A_345, %mul3A_351 : i32
          %dma_start3A_353 = arith.constant 0 : i32
          %dma_start3A_354 = tpu.memref_slice %arg11[%mul3A_352, %dma_start3A_353] : memref<656x128xf32, #tpu.memory_space<vmem>> -> memref<16x128xf32, #tpu.memory_space<vmem>>
          %dma_start3A_355 = arith.constant 0 : i32
          %dma_start3A_356 = tpu.memref_slice %arg12[%while3A_345, %dma_start3A_355] : memref<41x16xi32, #tpu.memory_space<vmem>> -> memref<1x16xi32, #tpu.memory_space<vmem>>
          %dma_start3A_357 = tpu.memref_squeeze %dma_start3A_356 : memref<1x16xi32, #tpu.memory_space<vmem>> -> memref<16xi32, #tpu.memory_space<vmem>>
          %dma_start3A_358 = arith.constant 0 : i32
          %dma_start3A_359 = arith.constant 0 : i32
          %dma_start3A_360 = tpu.memref_slice %arg5[%dma_start3A_358, %dma_start3A_359] : memref<16896x128xf32, #tpu.memory_space<hbm>> -> memref<16896x128xf32, #tpu.memory_space<hbm>>
          tpu.enqueue_indirect_dma source(%dma_start3A_354 : memref<16x128xf32, #tpu.memory_space<vmem>>) target(%dma_start3A_360 : memref<16896x128xf32, #tpu.memory_space<hbm>>) offsets(%dma_start3A_357 : memref<16xi32, #tpu.memory_space<vmem>>) semaphore(%arg16 : memref<!tpu.dma_semaphore, #tpu.memory_space<semaphore_mem>>)
          %while3A_361 = arith.constant 0 : i32
          scf.yield %while3A_361 : i32
        }
        scf.yield %while3A_303, %select_n3A_333 : i32, i32
      } else {
        scf.yield %cond3A_247#0, %cond3A_247#1 : i32, i32
      }
      scf.yield %cond3A_256#0, %cond3A_256#1 : i32, i32
    }
    %scan3A_162 = arith.constant 31 : i32
    %eq3A_163 = arith.constant 31 : i32
    %eq3A_164 = arith.cmpi eq, %add3A, %eq3A_163 : i32
    %convert_element_type3A = arith.extui %eq3A_164 : i1 to i32
    %cond3A = arith.constant 0 : i32
    %cond3A_165 = arith.cmpi ne, %convert_element_type3A, %cond3A : i32
    scf.if %cond3A_165 {
      "tpu.region"() ({
        %run_scoped3A = tpu.sem_alloc : memref<!tpu.dma_semaphore, #tpu.memory_space<semaphore_mem>>
        tpu.enqueue_dma source(%arg4 : memref<32x64xf32, #tpu.memory_space<hbm>>) target(%arg13 : memref<32x64xf32, #tpu.memory_space<vmem>>) target_semaphore(%run_scoped3A : memref<!tpu.dma_semaphore, #tpu.memory_space<semaphore_mem>>)
        tpu.wait_dma2 semaphore(%run_scoped3A : memref<!tpu.dma_semaphore, #tpu.memory_space<semaphore_mem>>) src(%arg4 : memref<32x64xf32, #tpu.memory_space<hbm>>) dst(%arg13 : memref<32x64xf32, #tpu.memory_space<vmem>>)
        tpu.yield
      }) : () -> ()
    } else {
    }
    %eq3A_166 = arith.constant 31 : i32
    %eq3A_167 = arith.cmpi eq, %add3A, %eq3A_166 : i32
    %while3A = arith.constant 0 : i32
    %while3A_168 = arith.subi %select_n3A_154, %while3A : i32
    %while3A_169 = arith.addi %while3A, %while3A_168 : i32
    %while3A_170 = arith.constant 1 : i32
    %while3A_171 = arith.divsi %while3A_168, %while3A_170 : i32
    %while3A_172 = arith.muli %while3A_171, %while3A_170 : i32
    %while3A_173 = arith.addi %while3A, %while3A_172 : i32
    %while3A_174 = arith.constant 1 : i32
    %while3A_175 = scf.for %while3A_237 = %while3A to %while3A_173 step %while3A_174 iter_args(%while3A_238 = %scan3A_161#0) -> (i32)  : i32 {
      %mul3A_239 = arith.constant 16 : i32
      %mul3A_240 = arith.muli %while3A_237, %mul3A_239 : i32
      %get3A = arith.index_cast %mul3A_240 : i32 to index
      %get3A_241 = tpu.vector_load %arg7[%get3A] {strides = array<i32>} : memref<656xi32, #tpu.memory_space<vmem>>, vector<16xi32>,
      %ge3A = arith.constant 999936 : i32
      %ge3A_242 = vector.broadcast %ge3A : i32 to vector<16xi32>
      %ge3A_243 = arith.cmpi sge, %get3A_241, %ge3A_242 : vector<16xi32>
      %lt3A = arith.constant 1000000 : i32
      %lt3A_244 = vector.broadcast %lt3A : i32 to vector<16xi32>
      %lt3A_245 = arith.cmpi slt, %get3A_241, %lt3A_244 : vector<16xi32>
      %and3A_246 = arith.andi %ge3A_243, %lt3A_245 : vector<16xi1>
      %mul3A_247 = arith.constant 16 : i32
      %mul3A_248 = arith.muli %while3A_237, %mul3A_247 : i32
      %get3A_249 = arith.index_cast %mul3A_248 : i32 to index
      %get3A_250 = tpu.vector_load %arg8[%get3A_249] {strides = array<i32>} : memref<656xi32, #tpu.memory_space<vmem>>, vector<16xi32>,
      %swap3A_251 = arith.index_cast %while3A_238 : i32 to index
      %swap3A_252 = tpu.vector_load %arg9[%swap3A_251] masked %and3A_246 {strides = array<i32>} : memref<656xi32, #tpu.memory_space<vmem>>, vector<16xi32>, vector<16xi1>
      tpu.vector_store %arg9[%swap3A_251], %get3A_250 masked %and3A_246 {strides = array<i32>} : memref<656xi32, #tpu.memory_space<vmem>>, vector<16xi32>, vector<16xi1>
      %while3A_253:2 = scf.while (%while3A_254 = %and3A_246, %while3A_255 = %while3A_238) : (vector<16xi1>, i32) -> (vector<16xi1>, i32) {
        %reduce_or3A = arith.constant 1.000000e+00 : f32
        %reduce_or3A_256 = arith.constant 0.000000e+00 : f32
        %reduce_or3A_257 = vector.broadcast %reduce_or3A : f32 to vector<16xf32>
        %reduce_or3A_258 = vector.broadcast %reduce_or3A_256 : f32 to vector<16xf32>
        %reduce_or3A_259 = arith.select %while3A_254, %reduce_or3A_257, %reduce_or3A_258 : vector<16xi1>, vector<16xf32>
        %reduce_or3A_260 = arith.constant true
        %reduce_or3A_261 = vector.broadcast %reduce_or3A_260 : i1 to vector<16xi1>
        %reduce_or3A_262 = tpu.scan <max>, %reduce_or3A_259 masked %reduce_or3A_261 : vector<16xf32>, vector<16xi1> -> vector<16xf32>
        %reduce_or3A_263 = vector.extract %reduce_or3A_262[15] : f32 from vector<16xf32>
        %reduce_or3A_264 = arith.constant 0.000000e+00 : f32
        %reduce_or3A_265 = arith.cmpf ogt, %reduce_or3A_263, %reduce_or3A_264 : f32
        scf.condition(%reduce_or3A_265) %while3A_254, %while3A_255 : vector<16xi1>, i32
      } do {
      ^bb0(%while3A_254: vector<16xi1>, %while3A_255: i32):
        %all_reduce_ffs3A = tpu.all_reduce %while3A_254 {dim = 0 : i64, kind = #tpu.reduction_kind<find_first_set>} : vector<16xi1> -> vector<16xi32>
        %eq3A_256 = arith.cmpi eq, %iota3A, %all_reduce_ffs3A : vector<16xi32>
        %sub3A_257 = arith.constant 999936 : i32
        %sub3A_258 = vector.broadcast %sub3A_257 : i32 to vector<16xi32>
        %sub3A_259 = arith.subi %get3A_241, %sub3A_258 : vector<16xi32>
        %jit3A_260 = arith.constant 0 : i32
        %broadcast_in_dim3A_261 = vector.broadcast %jit3A_260 : i32 to vector<16xi32>
        %select_n3A_262 = arith.select %eq3A_256, %sub3A_259, %broadcast_in_dim3A_261 : vector<16xi1>, vector<16xi32>
        %reduce_max3A = arith.constant true
        %reduce_max3A_263 = vector.broadcast %reduce_max3A : i1 to vector<16xi1>
        %reduce_max3A_264 = arith.constant -2147483648 : i32
        %reduce_max3A_265 = vector.broadcast %reduce_max3A_264 : i32 to vector<16xi32>
        %reduce_max3A_266 = arith.xori %select_n3A_262, %reduce_max3A_265 : vector<16xi32>
        %reduce_max3A_267 = tpu.scan <max>, %reduce_max3A_266 masked %reduce_max3A_263 : vector<16xi32>, vector<16xi1> -> vector<16xi32>
        %reduce_max3A_268 = arith.xori %reduce_max3A_267, %reduce_max3A_265 : vector<16xi32>
        %reduce_max3A_269 = vector.extract %reduce_max3A_268[15] : i32 from vector<16xi32>
        %broadcast_in_dim3A_270 = vector.broadcast %reduce_max3A_269 : i32 to vector<16xi32>
        %gather3A = tpu.vector_load_idx %arg13[%iota3A, %broadcast_in_dim3A_270] : memref<32x64xf32, #tpu.memory_space<vmem>>[vector<16xi32>, vector<16xi32>], vector<16xf32>,
        %add3A_271 = arith.constant 16 : i32
        %add3A_272 = vector.broadcast %add3A_271 : i32 to vector<16xi32>
        %add3A_273 = arith.addi %iota3A, %add3A_272 : vector<16xi32>
        %broadcast_in_dim3A_274 = vector.broadcast %reduce_max3A_269 : i32 to vector<16xi32>
        %gather3A_275 = tpu.vector_load_idx %arg13[%add3A_273, %broadcast_in_dim3A_274] : memref<32x64xf32, #tpu.memory_space<vmem>>[vector<16xi32>, vector<16xi32>], vector<16xf32>,
        %broadcast_in_dim3A_276 = vector.broadcast %while3A_255 : i32 to vector<16xi32>
        tpu.vector_store_idx %arg11[%broadcast_in_dim3A_276, %iota3A], %gather3A : memref<656x128xf32, #tpu.memory_space<vmem>>[vector<16xi32>, vector<16xi32>], vector<16xf32>,
        %broadcast_in_dim3A_277 = vector.broadcast %while3A_255 : i32 to vector<16xi32>
        %add3A_278 = arith.constant 16 : i32
        %add3A_279 = vector.broadcast %add3A_278 : i32 to vector<16xi32>
        %add3A_280 = arith.addi %iota3A, %add3A_279 : vector<16xi32>
        tpu.vector_store_idx %arg11[%broadcast_in_dim3A_277, %add3A_280], %gather3A_275 : memref<656x128xf32, #tpu.memory_space<vmem>>[vector<16xi32>, vector<16xi32>], vector<16xf32>,
        %not3A = arith.constant dense<true> : vector<16xi1>
        %not3A_281 = arith.xori %eq3A_256, %not3A : vector<16xi1>
        %and3A_282 = arith.andi %while3A_254, %not3A_281 : vector<16xi1>
        %add3A_283 = arith.constant 1 : i32
        %add3A_284 = arith.addi %while3A_255, %add3A_283 : i32
        scf.yield %and3A_282, %add3A_284 : vector<16xi1>, i32
      }
      scf.yield %while3A_253#1 : i32
    }
    %while3A_176 = arith.constant 1 : i32
    %while3A_177 = scf.for %while3A_237 = %while3A_173 to %while3A_169 step %while3A_176 iter_args(%while3A_238 = %while3A_175) -> (i32)  : i32 {
      %mul3A_239 = arith.constant 16 : i32
      %mul3A_240 = arith.muli %while3A_237, %mul3A_239 : i32
      %get3A = arith.index_cast %mul3A_240 : i32 to index
      %get3A_241 = tpu.vector_load %arg7[%get3A] {strides = array<i32>} : memref<656xi32, #tpu.memory_space<vmem>>, vector<16xi32>,
      %ge3A = arith.constant 999936 : i32
      %ge3A_242 = vector.broadcast %ge3A : i32 to vector<16xi32>
      %ge3A_243 = arith.cmpi sge, %get3A_241, %ge3A_242 : vector<16xi32>
      %lt3A = arith.constant 1000000 : i32
      %lt3A_244 = vector.broadcast %lt3A : i32 to vector<16xi32>
      %lt3A_245 = arith.cmpi slt, %get3A_241, %lt3A_244 : vector<16xi32>
      %and3A_246 = arith.andi %ge3A_243, %lt3A_245 : vector<16xi1>
      %mul3A_247 = arith.constant 16 : i32
      %mul3A_248 = arith.muli %while3A_237, %mul3A_247 : i32
      %get3A_249 = arith.index_cast %mul3A_248 : i32 to index
      %get3A_250 = tpu.vector_load %arg8[%get3A_249] {strides = array<i32>} : memref<656xi32, #tpu.memory_space<vmem>>, vector<16xi32>,
      %swap3A_251 = arith.index_cast %while3A_238 : i32 to index
      %swap3A_252 = tpu.vector_load %arg9[%swap3A_251] masked %and3A_246 {strides = array<i32>} : memref<656xi32, #tpu.memory_space<vmem>>, vector<16xi32>, vector<16xi1>
      tpu.vector_store %arg9[%swap3A_251], %get3A_250 masked %and3A_246 {strides = array<i32>} : memref<656xi32, #tpu.memory_space<vmem>>, vector<16xi32>, vector<16xi1>
      %while3A_253:2 = scf.while (%while3A_254 = %and3A_246, %while3A_255 = %while3A_238) : (vector<16xi1>, i32) -> (vector<16xi1>, i32) {
        %reduce_or3A = arith.constant 1.000000e+00 : f32
        %reduce_or3A_256 = arith.constant 0.000000e+00 : f32
        %reduce_or3A_257 = vector.broadcast %reduce_or3A : f32 to vector<16xf32>
        %reduce_or3A_258 = vector.broadcast %reduce_or3A_256 : f32 to vector<16xf32>
        %reduce_or3A_259 = arith.select %while3A_254, %reduce_or3A_257, %reduce_or3A_258 : vector<16xi1>, vector<16xf32>
        %reduce_or3A_260 = arith.constant true
        %reduce_or3A_261 = vector.broadcast %reduce_or3A_260 : i1 to vector<16xi1>
        %reduce_or3A_262 = tpu.scan <max>, %reduce_or3A_259 masked %reduce_or3A_261 : vector<16xf32>, vector<16xi1> -> vector<16xf32>
        %reduce_or3A_263 = vector.extract %reduce_or3A_262[15] : f32 from vector<16xf32>
        %reduce_or3A_264 = arith.constant 0.000000e+00 : f32
        %reduce_or3A_265 = arith.cmpf ogt, %reduce_or3A_263, %reduce_or3A_264 : f32
        scf.condition(%reduce_or3A_265) %while3A_254, %while3A_255 : vector<16xi1>, i32
      } do {
      ^bb0(%while3A_254: vector<16xi1>, %while3A_255: i32):
        %all_reduce_ffs3A = tpu.all_reduce %while3A_254 {dim = 0 : i64, kind = #tpu.reduction_kind<find_first_set>} : vector<16xi1> -> vector<16xi32>
        %eq3A_256 = arith.cmpi eq, %iota3A, %all_reduce_ffs3A : vector<16xi32>
        %sub3A_257 = arith.constant 999936 : i32
        %sub3A_258 = vector.broadcast %sub3A_257 : i32 to vector<16xi32>
        %sub3A_259 = arith.subi %get3A_241, %sub3A_258 : vector<16xi32>
        %jit3A_260 = arith.constant 0 : i32
        %broadcast_in_dim3A_261 = vector.broadcast %jit3A_260 : i32 to vector<16xi32>
        %select_n3A_262 = arith.select %eq3A_256, %sub3A_259, %broadcast_in_dim3A_261 : vector<16xi1>, vector<16xi32>
        %reduce_max3A = arith.constant true
        %reduce_max3A_263 = vector.broadcast %reduce_max3A : i1 to vector<16xi1>
        %reduce_max3A_264 = arith.constant -2147483648 : i32
        %reduce_max3A_265 = vector.broadcast %reduce_max3A_264 : i32 to vector<16xi32>
        %reduce_max3A_266 = arith.xori %select_n3A_262, %reduce_max3A_265 : vector<16xi32>
        %reduce_max3A_267 = tpu.scan <max>, %reduce_max3A_266 masked %reduce_max3A_263 : vector<16xi32>, vector<16xi1> -> vector<16xi32>
        %reduce_max3A_268 = arith.xori %reduce_max3A_267, %reduce_max3A_265 : vector<16xi32>
        %reduce_max3A_269 = vector.extract %reduce_max3A_268[15] : i32 from vector<16xi32>
        %broadcast_in_dim3A_270 = vector.broadcast %reduce_max3A_269 : i32 to vector<16xi32>
        %gather3A = tpu.vector_load_idx %arg13[%iota3A, %broadcast_in_dim3A_270] : memref<32x64xf32, #tpu.memory_space<vmem>>[vector<16xi32>, vector<16xi32>], vector<16xf32>,
        %add3A_271 = arith.constant 16 : i32
        %add3A_272 = vector.broadcast %add3A_271 : i32 to vector<16xi32>
        %add3A_273 = arith.addi %iota3A, %add3A_272 : vector<16xi32>
        %broadcast_in_dim3A_274 = vector.broadcast %reduce_max3A_269 : i32 to vector<16xi32>
        %gather3A_275 = tpu.vector_load_idx %arg13[%add3A_273, %broadcast_in_dim3A_274] : memref<32x64xf32, #tpu.memory_space<vmem>>[vector<16xi32>, vector<16xi32>], vector<16xf32>,
        %broadcast_in_dim3A_276 = vector.broadcast %while3A_255 : i32 to vector<16xi32>
        tpu.vector_store_idx %arg11[%broadcast_in_dim3A_276, %iota3A], %gather3A : memref<656x128xf32, #tpu.memory_space<vmem>>[vector<16xi32>, vector<16xi32>], vector<16xf32>,
        %broadcast_in_dim3A_277 = vector.broadcast %while3A_255 : i32 to vector<16xi32>
        %add3A_278 = arith.constant 16 : i32
        %add3A_279 = vector.broadcast %add3A_278 : i32 to vector<16xi32>
        %add3A_280 = arith.addi %iota3A, %add3A_279 : vector<16xi32>
        tpu.vector_store_idx %arg11[%broadcast_in_dim3A_277, %add3A_280], %gather3A_275 : memref<656x128xf32, #tpu.memory_space<vmem>>[vector<16xi32>, vector<16xi32>], vector<16xf32>,
        %not3A = arith.constant dense<true> : vector<16xi1>
        %not3A_281 = arith.xori %eq3A_256, %not3A : vector<16xi1>
        %and3A_282 = arith.andi %while3A_254, %not3A_281 : vector<16xi1>
        %add3A_283 = arith.constant 1 : i32
        %add3A_284 = arith.addi %while3A_255, %add3A_283 : i32
        scf.yield %and3A_282, %add3A_284 : vector<16xi1>, i32
      }
      scf.yield %while3A_253#1 : i32
    }
    %select_n3A_178 = arith.select %eq3A_167, %while3A_177, %scan3A_161#0 : i32
    %mul3A_179 = arith.constant 16 : i32
    %mul3A_180 = arith.muli %add3A, %mul3A_179 : i32
    %add3A_181 = vector.broadcast %mul3A_180 : i32 to vector<16xi32>
    %add3A_182 = arith.addi %add3A_181, %iota3A : vector<16xi32>
    %add3A_183 = arith.constant 16384 : i32
    %add3A_184 = vector.broadcast %add3A_183 : i32 to vector<16xi32>
    %add3A_185 = arith.addi %add3A_184, %add3A_182 : vector<16xi32>
    %swap3A_186 = arith.index_cast %select_n3A_178 : i32 to index
    %swap3A_187 = tpu.vector_load %arg9[%swap3A_186] {strides = array<i32>} : memref<656xi32, #tpu.memory_space<vmem>>, vector<16xi32>,
    tpu.vector_store %arg9[%swap3A_186], %add3A_185 {strides = array<i32>} : memref<656xi32, #tpu.memory_space<vmem>>, vector<16xi32>,
    %add3A_188 = arith.constant 15 : i32
    %add3A_189 = arith.addi %select_n3A_178, %add3A_188 : i32
    %jit3A_190 = arith.constant 16 : i32
    %div3A_191 = arith.divsi %add3A_189, %jit3A_190 : i32
    %sign3A_192 = arith.constant 0 : i32
    %sign3A_193 = arith.cmpi sgt, %add3A_189, %sign3A_192 : i32
    %sign3A_194 = arith.extui %sign3A_193 : i1 to i32
    %sign3A_195 = arith.constant 0 : i32
    %sign3A_196 = arith.cmpi slt, %add3A_189, %sign3A_195 : i32
    %sign3A_197 = arith.extui %sign3A_196 : i1 to i32
    %sign3A_198 = arith.subi %sign3A_194, %sign3A_197 : i32
    %sign3A_199 = arith.constant 0 : i32
    %sign3A_200 = arith.cmpi sgt, %jit3A_190, %sign3A_199 : i32
    %sign3A_201 = arith.extui %sign3A_200 : i1 to i32
    %sign3A_202 = arith.constant 0 : i32
    %sign3A_203 = arith.cmpi slt, %jit3A_190, %sign3A_202 : i32
    %sign3A_204 = arith.extui %sign3A_203 : i1 to i32
    %sign3A_205 = arith.subi %sign3A_201, %sign3A_204 : i32
    %ne3A_206 = arith.cmpi ne, %sign3A_198, %sign3A_205 : i32
    %rem3A_207 = arith.remsi %add3A_189, %jit3A_190 : i32
    %ne3A_208 = arith.constant 0 : i32
    %ne3A_209 = arith.cmpi ne, %rem3A_207, %ne3A_208 : i32
    %and3A_210 = arith.andi %ne3A_206, %ne3A_209 : i1
    %sub3A_211 = arith.constant 1 : i32
    %sub3A_212 = arith.subi %div3A_191, %sub3A_211 : i32
    %select_n3A_213 = arith.select %and3A_210, %sub3A_212, %div3A_191 : i32
    %while3A_214 = arith.constant 0 : i32
    %while3A_215 = arith.subi %select_n3A_213, %scan3A_161#1 : i32
    %while3A_216 = arith.addi %scan3A_161#1, %while3A_215 : i32
    %while3A_217 = arith.constant 1 : i32
    %while3A_218 = arith.divsi %while3A_215, %while3A_217 : i32
    %while3A_219 = arith.muli %while3A_218, %while3A_217 : i32
    %while3A_220 = arith.addi %scan3A_161#1, %while3A_219 : i32
    %while3A_221 = arith.constant 1 : i32
    %while3A_222 = scf.for %while3A_237 = %scan3A_161#1 to %while3A_220 step %while3A_221 iter_args(%while3A_238 = %while3A_214) -> (i32)  : i32 {
      %broadcast_in_dim3A_239 = vector.broadcast %while3A_237 : i32 to vector<16xi32>
      %mul3A_240 = arith.constant 16 : i32
      %mul3A_241 = arith.muli %while3A_237, %mul3A_240 : i32
      %get3A = arith.index_cast %mul3A_241 : i32 to index
      %get3A_242 = tpu.vector_load %arg9[%get3A] {strides = array<i32>} : memref<656xi32, #tpu.memory_space<vmem>>, vector<16xi32>,
      tpu.vector_store_idx %arg12[%broadcast_in_dim3A_239, %iota3A], %get3A_242 : memref<41x16xi32, #tpu.memory_space<vmem>>[vector<16xi32>, vector<16xi32>], vector<16xi32>,
      %mul3A_243 = arith.constant 16 : i32
      %mul3A_244 = arith.muli %while3A_237, %mul3A_243 : i32
      %dma_start3A_245 = arith.constant 0 : i32
      %dma_start3A_246 = tpu.memref_slice %arg11[%mul3A_244, %dma_start3A_245] : memref<656x128xf32, #tpu.memory_space<vmem>> -> memref<16x128xf32, #tpu.memory_space<vmem>>
      %dma_start3A_247 = arith.constant 0 : i32
      %dma_start3A_248 = tpu.memref_slice %arg12[%while3A_237, %dma_start3A_247] : memref<41x16xi32, #tpu.memory_space<vmem>> -> memref<1x16xi32, #tpu.memory_space<vmem>>
      %dma_start3A_249 = tpu.memref_squeeze %dma_start3A_248 : memref<1x16xi32, #tpu.memory_space<vmem>> -> memref<16xi32, #tpu.memory_space<vmem>>
      %dma_start3A_250 = arith.constant 0 : i32
      %dma_start3A_251 = arith.constant 0 : i32
      %dma_start3A_252 = tpu.memref_slice %arg5[%dma_start3A_250, %dma_start3A_251] : memref<16896x128xf32, #tpu.memory_space<hbm>> -> memref<16896x128xf32, #tpu.memory_space<hbm>>
      tpu.enqueue_indirect_dma source(%dma_start3A_246 : memref<16x128xf32, #tpu.memory_space<vmem>>) target(%dma_start3A_252 : memref<16896x128xf32, #tpu.memory_space<hbm>>) offsets(%dma_start3A_249 : memref<16xi32, #tpu.memory_space<vmem>>) semaphore(%arg16 : memref<!tpu.dma_semaphore, #tpu.memory_space<semaphore_mem>>)
      %while3A_253 = arith.constant 0 : i32
      scf.yield %while3A_253 : i32
    }
    %while3A_223 = arith.constant 1 : i32
    %while3A_224 = scf.for %while3A_237 = %while3A_220 to %while3A_216 step %while3A_223 iter_args(%while3A_238 = %while3A_222) -> (i32)  : i32 {
      %broadcast_in_dim3A_239 = vector.broadcast %while3A_237 : i32 to vector<16xi32>
      %mul3A_240 = arith.constant 16 : i32
      %mul3A_241 = arith.muli %while3A_237, %mul3A_240 : i32
      %get3A = arith.index_cast %mul3A_241 : i32 to index
      %get3A_242 = tpu.vector_load %arg9[%get3A] {strides = array<i32>} : memref<656xi32, #tpu.memory_space<vmem>>, vector<16xi32>,
      tpu.vector_store_idx %arg12[%broadcast_in_dim3A_239, %iota3A], %get3A_242 : memref<41x16xi32, #tpu.memory_space<vmem>>[vector<16xi32>, vector<16xi32>], vector<16xi32>,
      %mul3A_243 = arith.constant 16 : i32
      %mul3A_244 = arith.muli %while3A_237, %mul3A_243 : i32
      %dma_start3A_245 = arith.constant 0 : i32
      %dma_start3A_246 = tpu.memref_slice %arg11[%mul3A_244, %dma_start3A_245] : memref<656x128xf32, #tpu.memory_space<vmem>> -> memref<16x128xf32, #tpu.memory_space<vmem>>
      %dma_start3A_247 = arith.constant 0 : i32
      %dma_start3A_248 = tpu.memref_slice %arg12[%while3A_237, %dma_start3A_247] : memref<41x16xi32, #tpu.memory_space<vmem>> -> memref<1x16xi32, #tpu.memory_space<vmem>>
      %dma_start3A_249 = tpu.memref_squeeze %dma_start3A_248 : memref<1x16xi32, #tpu.memory_space<vmem>> -> memref<16xi32, #tpu.memory_space<vmem>>
      %dma_start3A_250 = arith.constant 0 : i32
      %dma_start3A_251 = arith.constant 0 : i32
      %dma_start3A_252 = tpu.memref_slice %arg5[%dma_start3A_250, %dma_start3A_251] : memref<16896x128xf32, #tpu.memory_space<hbm>> -> memref<16896x128xf32, #tpu.memory_space<hbm>>
      tpu.enqueue_indirect_dma source(%dma_start3A_246 : memref<16x128xf32, #tpu.memory_space<vmem>>) target(%dma_start3A_252 : memref<16896x128xf32, #tpu.memory_space<hbm>>) offsets(%dma_start3A_249 : memref<16xi32, #tpu.memory_space<vmem>>) semaphore(%arg16 : memref<!tpu.dma_semaphore, #tpu.memory_space<semaphore_mem>>)
      %while3A_253 = arith.constant 0 : i32
      scf.yield %while3A_253 : i32
    }
    %while3A_225 = arith.constant 0 : i32
    %while3A_226 = arith.constant 0 : i32
    %while3A_227 = arith.subi %select_n3A_213, %while3A_225 : i32
    %while3A_228 = arith.addi %while3A_225, %while3A_227 : i32
    %while3A_229 = arith.constant 1 : i32
    %while3A_230 = arith.divsi %while3A_227, %while3A_229 : i32
    %while3A_231 = arith.muli %while3A_230, %while3A_229 : i32
    %while3A_232 = arith.addi %while3A_225, %while3A_231 : i32
    %while3A_233 = arith.constant 1 : i32
    %while3A_234 = scf.for %while3A_237 = %while3A_225 to %while3A_232 step %while3A_233 iter_args(%while3A_238 = %while3A_226) -> (i32)  : i32 {
      %dma_wait3A = arith.constant 0 : i32
      %dma_wait3A_239 = arith.constant 0 : i32
      %dma_wait3A_240 = arith.constant 0 : i32
      %dma_wait3A_241 = tpu.memref_slice %arg11[%dma_wait3A_239, %dma_wait3A_240] : memref<656x128xf32, #tpu.memory_space<vmem>> -> memref<16x128xf32, #tpu.memory_space<vmem>>
      %dma_wait3A_242 = arith.constant 0 : i32
      %dma_wait3A_243 = tpu.memref_slice %arg12[%dma_wait3A, %dma_wait3A_242] : memref<41x16xi32, #tpu.memory_space<vmem>> -> memref<1x16xi32, #tpu.memory_space<vmem>>
      %dma_wait3A_244 = tpu.memref_squeeze %dma_wait3A_243 : memref<1x16xi32, #tpu.memory_space<vmem>> -> memref<16xi32, #tpu.memory_space<vmem>>
      %dma_wait3A_245 = arith.constant 0 : i32
      %dma_wait3A_246 = arith.constant 0 : i32
      %dma_wait3A_247 = tpu.memref_slice %arg5[%dma_wait3A_245, %dma_wait3A_246] : memref<16896x128xf32, #tpu.memory_space<hbm>> -> memref<16896x128xf32, #tpu.memory_space<hbm>>
      tpu.wait_indirect_dma semaphore(%arg16 : memref<!tpu.dma_semaphore, #tpu.memory_space<semaphore_mem>>) src(%dma_wait3A_241 : memref<16x128xf32, #tpu.memory_space<vmem>>) dst(%dma_wait3A_247 : memref<16896x128xf32, #tpu.memory_space<hbm>>)
      %while3A_248 = arith.constant 0 : i32
      scf.yield %while3A_248 : i32
    }
    %while3A_235 = arith.constant 1 : i32
    %while3A_236 = scf.for %while3A_237 = %while3A_232 to %while3A_228 step %while3A_235 iter_args(%while3A_238 = %while3A_234) -> (i32)  : i32 {
      %dma_wait3A = arith.constant 0 : i32
      %dma_wait3A_239 = arith.constant 0 : i32
      %dma_wait3A_240 = arith.constant 0 : i32
      %dma_wait3A_241 = tpu.memref_slice %arg11[%dma_wait3A_239, %dma_wait3A_240] : memref<656x128xf32, #tpu.memory_space<vmem>> -> memref<16x128xf32, #tpu.memory_space<vmem>>
      %dma_wait3A_242 = arith.constant 0 : i32
      %dma_wait3A_243 = tpu.memref_slice %arg12[%dma_wait3A, %dma_wait3A_242] : memref<41x16xi32, #tpu.memory_space<vmem>> -> memref<1x16xi32, #tpu.memory_space<vmem>>
      %dma_wait3A_244 = tpu.memref_squeeze %dma_wait3A_243 : memref<1x16xi32, #tpu.memory_space<vmem>> -> memref<16xi32, #tpu.memory_space<vmem>>
      %dma_wait3A_245 = arith.constant 0 : i32
      %dma_wait3A_246 = arith.constant 0 : i32
      %dma_wait3A_247 = tpu.memref_slice %arg5[%dma_wait3A_245, %dma_wait3A_246] : memref<16896x128xf32, #tpu.memory_space<hbm>> -> memref<16896x128xf32, #tpu.memory_space<hbm>>
      tpu.wait_indirect_dma semaphore(%arg16 : memref<!tpu.dma_semaphore, #tpu.memory_space<semaphore_mem>>) src(%dma_wait3A_241 : memref<16x128xf32, #tpu.memory_space<vmem>>) dst(%dma_wait3A_247 : memref<16896x128xf32, #tpu.memory_space<hbm>>)
      %while3A_248 = arith.constant 0 : i32
      scf.yield %while3A_248 : i32
    }
    return
  }
}

module attributes {stable_mosaic.version = 14 : i64} {
  func.func @_transpose_block(%arg0: i32, %arg1: memref<128x128xf32, #tpu.memory_space<vmem>>, %arg2: memref<32x128xf32, #tpu.memory_space<vmem>>) attributes {dimension_semantics = [#tpu.dimension_semantics<arbitrary>], iteration_bounds = array<i64: 128>, scalar_prefetch = 0 : i64, scratch_operands = 0 : i64, tpu.core_type = #tpu.core_type<tc>, window_params = [{transform_indices = @transform_0, window_bounds = array<i64: 128, 128>}, {transform_indices = @transform_1, window_bounds = array<i64: 32, 128>}]} {
    %get3A = arith.constant 0 : index
    %get3A_0 = arith.constant 0 : index
    %get3A_1 = vector.load %arg1[%get3A, %get3A_0] : memref<128x128xf32, #tpu.memory_space<vmem>>, vector<128x32xf32>
    %transpose3A = tpu.transpose %get3A_1, [1, 0] : vector<128x32xf32> -> vector<32x128xf32>
    %swap3A = arith.constant 0 : index
    %swap3A_2 = arith.constant 0 : index
    %swap3A_3 = vector.load %arg2[%swap3A, %swap3A_2] : memref<32x128xf32, #tpu.memory_space<vmem>>, vector<32x128xf32>
    tpu.vector_store %arg2[%swap3A, %swap3A_2], %transpose3A {strides = array<i32>} : memref<32x128xf32, #tpu.memory_space<vmem>>, vector<32x128xf32>,
    return
  }
  func.func @transform_0(%arg0: i32) -> (i32, i32) {
    %c0_i32 = arith.constant 0 : i32
    %c0_i32_0 = arith.constant 0 : i32
    return %arg0, %c0_i32 : i32, i32
  }
  func.func @transform_1(%arg0: i32) -> (i32, i32) {
    %c0_i32 = arith.constant 0 : i32
    %c0_i32_0 = arith.constant 0 : i32
    return %c0_i32, %arg0 : i32, i32
  }
}

</mosaic_0001>

<sc_bundles>
// kernel: kernel.4.cloned.1.call-start
scs
__scs_entry_jumppad:
0x0: {  	(pc) =	sbr.rel $0x88, $3  }
0x1: {  	(tag) =	ssettag $0x0;
	lr =	simm.s32 $0x1  }
0x2: {  	[smem:$0x3F9F] =	sst lr;
	_ =	strace $0xD0000000  }
0x3: {  	_ = 	snop  }
0x4: {  	_ = 	snop  }
0x5: {  	_ = 	snop  }
0x6: {  	_ = 	snop  }
0x7: {  	_ = 	snop  }
__scs_overlays_trampoline_lowered:
0x8: {  	[smem:$0x3FAE] =	sst s0  }
0x9: {  	[smem:$0x3FAF] =	sst s1  }
0xa: {  	[smem:$0x3FB0] =	sst s2  }
0xb: {  	[smem:$0x3FB1] =	sst s3  }
0xc: {  	[smem:$0x3FB2] =	sst s4  }
0xd: {  	[smem:$0x3FB3] =	sst s5  }
0xe: {  	[smem:$0x3FB4] =	sst s6  }
0xf: {  	[smem:$0x3FB5] =	sst s7  }
0x10: {  	[smem:$0x3FB6] =	sst s8  }
0x11: {  	[smem:$0x3FB7] =	sst s9;
	s0 =	simm.s32 @!p0 $0x0  }
0x12: {  	s1 =	sld [smem:$0x3F9D];
	s0 =	simm.s32 @p0 $0x1  }
0x13: {  	[smem:$0x3FB8] =	sst s0;
	s0 =	simm.s32 @!p1 $0x0  }
0x14: {  	s2 =	sld [smem:$0x3F9C];
	s0 =	simm.s32 @p1 $0x1  }
0x15: {  	[smem:$0x3FB9] =	sst s0;
	s0 =	simm.s32 @!p2 $0x0  }
0x16: {  	s3 =	sld [smem:$0x3FDB];
	s0 =	simm.s32 @p2 $0x1  }
0x17: {  	s4 =	simm.s32 $0x1BF5;
	[smem:$0x3FBB] =	sst s0  }
0x18: {  	s0 =	sld [smem:$0x3F9E];
	_ =	swait.ge [sflag:s4], $0x0  }
0x19: {  	s7 =	sld [smem:$0x3F9F]  }
0x1a: {  	s8 =	sadd.s32 $0xFFFFE003, lr  }
0x1b: {  	s9 =	sadd.s32 $0xFFFFFEF7, lr;
	s5 =	simm.s32 $0xFFFFFFFF;
	p2 =	slt.u32 s8, $0xFFFFF086  }
0x1c: {  	p1 =	slt.u32 s9, $0xF7A;
	s5 =	simm.s32 @!p2 $0x0  }
0x1d: {  	s5 =	simm.s32 @p1 $0x1;
	p0 =	seq.s32 s7, s2  }
0x1e: {  	s7 =	smul.u32 @!p0 $0xF7A, s2;
	p2 =	seq.s32 @!p0 s5, $0x0  }
0x1f: {  	s9 =	smul.u32 $0xF7A, s1;
	s8 =	simm.s32 @!p0 $0x1BF5;
	p2 =	por !p2, p0  }
0x20: {  	[sflag:s8] =	ssyncset.s32 @!p0 $0xFFFFF086;
	s6 =	sadd.s32 @!p0 s3, s7;
	s7 =	simm.s32 @!p0 $0x108  }
0x21: {  	s3 =	sadd.s32 s3, s9;
	s6 =	sadd.s32 @!p0 $0x88, s6;
	s7 =	simm.s32 @p2 $0x1082  }
0x22: {  	[simem:s7], [sflag:s8] =	dma.local @!p0 [hbm:s6], $0xF7A  }
0x23: {  	s9 =	sor.u32 $0xD0000000, s2;
	s6 =	simm.s32 $0x108;
	_ =	swait.ge @!p0 [sflag:s8], $0x0  }
0x24: {  	s3 =	sadd.s32 $0x88, s3;
	s6 =	simm.s32 @!p1 $0x1082;
	[sflag:s4] =	ssyncset.s32 $0xFFFFF086  }
0x25: {  	[simem:s6], [sflag:s4] =	dma.local [hbm:s3], $0xF7A  }
0x26: {  	[smem:$0x3F9F] =	sst s1;
	(tag) =	ssettag s2;
	_ =	strace s9  }
0x27: {  	s1 =	sld [smem:$0x3FAF]  }
0x28: {  	s2 =	sld [smem:$0x3FB0]  }
0x29: {  	s4 =	sld [smem:$0x3FB2]  }
0x2a: {  	p0 =	seq.s32 s5, $0x0;
	s5 =	sld [smem:$0x3FB3]  }
0x2b: {  	s6 =	sld [smem:$0x3FB4]  }
0x2c: {  	s7 =	sld [smem:$0x3FB5]  }
0x2d: {  	s3 =	simm.s32 $0x108;
	s8 =	sld [smem:$0x3FB6]  }
0x2e: {  	s3 =	simm.s32 @!p0 $0x1082;
	s9 =	sld [smem:$0x3FB7]  }
0x2f: {  	lr =	sadd.s32 s0, s3;
	s0 =	sld [smem:$0x3FAE]  }
0x30: {  	s3 =	sld [smem:$0x3FB1]  }
0x31: {  	[smem:$0x3FBA] =	sst s10  }
0x32: {  	s10 =	sld [smem:$0x3FB8];
	_ =	sdelay $0x3  }
0x33: {  	p0 =	seq.s32 s10, $0x1;
	s10 =	sld [smem:$0x3FBA];
	_ =	sdelay $0x3  }
0x34: {  	[smem:$0x3FBA] =	sst s10  }
0x35: {  	s10 =	sld [smem:$0x3FB9];
	_ =	sdelay $0x3  }
0x36: {  	p1 =	seq.s32 s10, $0x1;
	s10 =	sld [smem:$0x3FBA];
	_ =	sdelay $0x3  }
0x37: {  	[smem:$0x3FBA] =	sst s10  }
0x38: {  	s10 =	sld [smem:$0x3FBB]  }
0x39: {  	_ = 	snop;
	(pc) =	sbr.ind lr, $3  }
0x3a: {  	_ = 	snop  }
0x3b: {  	_ = 	snop  }
0x3c: {  	p2 =	seq.s32 s10, $0x1;
	s10 =	sld [smem:$0x3FBA]  }
0x3d: {  	_ =	shalt  }
0x3e: {  	_ =	shalt  }
0x3f: {  	_ =	shalt  }
0x40: {  	_ =	shalt  }
0x41: {  	_ =	shalt  }
0x42: {  	_ =	shalt  }
0x43: {  	_ =	shalt  }
0x44: {  	_ =	shalt  }
0x45: {  	_ =	shalt  }
0x46: {  	_ =	shalt  }
0x47: {  	_ =	shalt  }
0x48: {  	_ =	shalt  }
0x49: {  	_ =	shalt  }
0x4a: {  	_ =	shalt  }
0x4b: {  	_ =	shalt  }
0x4c: {  	_ =	shalt  }
0x4d: {  	_ =	shalt  }
0x4e: {  	_ =	shalt  }
0x4f: {  	_ =	shalt  }
0x50: {  	_ =	shalt  }
0x51: {  	_ =	shalt  }
0x52: {  	_ =	shalt  }
0x53: {  	_ =	shalt  }
0x54: {  	_ =	shalt  }
0x55: {  	_ =	shalt  }
0x56: {  	_ =	shalt  }
0x57: {  	_ =	shalt  }
0x58: {  	_ =	shalt  }
0x59: {  	_ =	shalt  }
0x5a: {  	_ =	shalt  }
0x5b: {  	_ =	shalt  }
0x5c: {  	_ =	shalt  }
0x5d: {  	_ =	shalt  }
0x5e: {  	_ =	shalt  }
0x5f: {  	_ =	shalt  }
0x60: {  	_ =	shalt  }
0x61: {  	_ =	shalt  }
0x62: {  	_ =	shalt  }
0x63: {  	_ =	shalt  }
0x64: {  	_ =	shalt  }
0x65: {  	_ =	shalt  }
0x66: {  	_ =	shalt  }
0x67: {  	_ =	shalt  }
0x68: {  	_ =	shalt  }
0x69: {  	_ =	shalt  }
0x6a: {  	_ =	shalt  }
0x6b: {  	_ =	shalt  }
0x6c: {  	_ =	shalt  }
0x6d: {  	_ =	shalt  }
0x6e: {  	_ =	shalt  }
0x6f: {  	_ =	shalt  }
0x70: {  	_ =	shalt  }
0x71: {  	_ =	shalt  }
0x72: {  	_ =	shalt  }
0x73: {  	_ =	shalt  }
0x74: {  	_ =	shalt  }
0x75: {  	_ =	shalt  }
0x76: {  	_ =	shalt  }
0x77: {  	_ =	shalt  }
0x78: {  	_ =	shalt  }
0x79: {  	_ =	shalt  }
0x7a: {  	_ =	shalt  }
0x7b: {  	_ =	shalt  }
0x7c: {  	_ =	shalt  }
0x7d: {  	_ =	shalt  }
0x7e: {  	_ =	shalt  }
0x7f: {  	_ =	shalt  }
0x80: {  	_ =	shalt  }
0x81: {  	_ =	shalt  }
0x82: {  	_ =	shalt  }
0x83: {  	_ =	shalt  }
0x84: {  	_ =	shalt  }
0x85: {  	_ =	shalt  }
0x86: {  	_ =	shalt  }
0x87: {  	_ =	shalt  }
.Lfunc_end0:
.L_simem_size_0:
called_computation_lowered:
.L_overlay_start_0:
0x88: {  	s2 =	sld [smem:$0x3FD9]  }
0x89: {  	s3 =	sld [smem:$0x3FFE];
	_ =	sdelay $0x1  }
0x8a: {  	s1 =	srdreg.scid  }
0x8b: {  	s0 =	sand.u32 $0x1, s1  }
0x8c: {  	s17 =	sshll.u32 s0, $0xA;
	s2 =	sadd.s32 s3, s2  }
0x8d: {  	s2 =	sadd.s32 s2, s17  }
0x8e: {  	[smem:$0x3FC6] =	sst s2  }
0x8f: {  	_ = 	snop  }
0x90: {  	s2 =	sld [smem:$0x3FC9]  }
0x91: {  	s18 =	sld [smem:$0x3FC8]  }
0x92: {  	s4 =	sld [smem:$0x3FD0];
	(tm) =	ssettm $0x1  }
0x93: {  	s5 =	sld [smem:$0x3FFB];
	_ =	sdelay $0x3  }
0x94: {  	_ =	strace s5  }
0x95: {  	s5 =	sld [smem:$0x3FFC];
	_ =	sdelay $0x3  }
0x96: {  	_ =	strace s5  }
0x97: {  	s5 =	sld [smem:$0x3FFD];
	_ =	sdelay $0x3  }
0x98: {  	_ =	strace s5  }
0x99: {  	_ =	strace $0x8FFFFFFF  }
0x9a: {  	s19 =	sld [smem:$0x3FDB];
	_ =	sdelay $0x1  }
0x9b: {  	s6 =	simm.s32 $_scs_section_size  }
0x9c: {  	s7 =	simm.s32 $_size__tile_overlayer_lowered;
	s8 =	simm.s32 $_tile_overlayer_lowered  }
0x9d: {  	s22 =	simm.s32 $0x1BFF;
	s21 =	sshll.u32 s8, $0x1;
	s5 =	sadd.s32 s6, s19  }
0x9e: {  	s9 =	simm.s32 $0x0;
	s20 =	sshll.u32 s7, $0x1;
	s7 =	sadd.s32 s21, s5  }
0x9f: {  	[timem:s9], [sflag:s22] =	dma.local [hbm:s7], s20  }
0xa0: {  	_ =	swait.ge [sflag:s22], s20  }
0xa1: {  	s6 =	ssub.s32 $0x0, s20;
	[sflag:s22] =	ssyncset.done $0x0  }
0xa2: {  	[sflag:s22] =	ssyncadd.s32 s6;
	_ =	sdelay $0x1  }
0xa3: {  	s23 =	simm.s32 $0x1B8B  }
0xa4: {  	_ =	swait.ge [sflag:s23], $0x1  }
0xa5: {  	[sflag:s23] =	ssyncset.done $0x0  }
0xa6: {  	s25 =	simm.s32 $0x1B8E;
	s24 =	sld [smem:$0x3FFE];
	[sflag:s23] =	ssyncadd.s32 $0xFFFFFFFF  }
0xa7: {  	s26 =	simm.s32 $execute0_lowered;
	[smem:$0x3FD2] =	sst s25  }
0xa8: {  	s7 =	sshll.u32 s26, $0x1;
	_ =	strace $0x80000046;
	[dreg:$0x1] =	wrdreg $0xFFFFFFFF  }
0xa9: {  	s28 =	simm.s32 $_size_execute0_lowered;
	s5 =	sadd.s32 s5, s7;
	[dreg:$0x0] =	wrdreg $0x0  }
0xaa: {  	s7 =	sshll.u32 s28, $0x1;
	[dreg:$0x2] =	wrdreg s5  }
0xab: {  	[dreg:$0x3] =	wrdreg s7  }
0xac: {  	[dreg:$0x4] =	wrdreg $0xC0  }
0xad: {  	_ =	task [dreg:s9], $0x5FFFF  }
0xae: {  	[dreg:$0x1] =	wrdreg $0xFFFFFFFF  }
0xaf: {  	[dreg:$0x0] =	wrdreg $0x60  }
0xb0: {  	[dreg:$0x2] =	wrdreg s2  }
0xb1: {  	[dreg:$0x3] =	wrdreg s18  }
0xb2: {  	[dreg:$0x4] =	wrdreg s4  }
0xb3: {  	[dreg:$0x5] =	wrdreg s24  }
0xb4: {  	[dreg:$0x6] =	wrdreg $0x9  }
0xb5: {  	_ =	task.clear_ibuf [dreg:s9], $0x7FFFF;
	_ =	strace $0x90000046  }
0xb6: {  	s29 =	simm.s32 $0x9;
	_ =	strace $0x80000048  }
0xb7: {  	_ =	swait.ge [sflag:s29], $0x1  }
0xb8: {  	[sflag:s29] =	ssyncadd.s32 $0xFFFFFFFF  }
0xb9: {  	_ =	strace $0x90000048  }
0xba: {  	_ =	sfence  }
0xbb: {  	s30 =	sld [smem:$0x0];
	_ =	sdelay $0x2  }
0xbc: {  	s31 =	sshll.u32 s1, $0xD;
	s1 =	sshrl.u32 s1, $0x2  }
0xbd: {  	s3 =	sand.u32 $0x4000, s31;
	s1 =	sadd.s32 s1, s30  }
0xbe: {  	s0 =	sor.u32 s3, s0;
	s1 =	sshll.u32 s1, $0x11  }
0xbf: {  	s0 =	sor.u32 s1, s0  }
0xc0: {  	s0 =	sadd.s32 $0x8F2B, s0  }
0xc1: {  	[sflag:s0] =	ssyncadd.remote.s32 $0x1  }
0xc2: {  	_ =	sfence.sel $0xFFFF  }
0xc3: {  	[dreg:$0x0] =	wrdreg $0xFFFFFFFF;
	(pc) =	sbr.abs _section_cstart, $3  }
0xc4: {  	[dreg:$0x1] =	wrdreg $0xFFFFFFFF  }
0xc5: {  	_ =	task.clear_ibuf [dreg:s9], $0x2FFFF;
	_ =	strace $0x9FFFFFFF  }
0xc6: {  	(tm) =	ssettm $0x7FFFFFFF  }
0xc7: {  	_ =	shalt  }
tec
execute0_lowered:
.L_overlay_start_1:
0x0: {  	(tag) =	ssettag $0x1  }
0x1: {  	s0 =	srdreg.scid;
	s4 =	rddreg [dreg:$0x1]  }
0x2: {  	s1 =	stileid.u32;
	s9 =	rddreg [dreg:$0x3];
	s13 =	simm.s32 $0x1  }
0x3: {  	s19 =	simm.s32 $0xD00;
	s20 =	simm.s32 $0x4D00;
	s21 =	simm.s32 $0x4  }
0x4: {  	s28 =	simm.s32 $0x3;
	s5 =	sand.u32 $0x1, s0;
	s22 =	sshll.u32 s1, $0x1  }
0x5: {  	v0 =	vlaneseq.u32;
	s1 =	rddreg [dreg:$0x0];
	s9 =	sadd.s32 $0x600, s9;
	s0 =	sor.u32 s5, s22  }
0x6: {  	v5 =	vimm.s32 $0x1380;
	vm0 =	vcmask $0x300;
	v4 =	vimm.s32 $0x0;
	s5 =	ssub.s32 $0x2, s5;
	s22 =	simm.s32 $0x8D00;
	s3 =	smul.u32 $0x1E84, s0  }
0x7: {  	vm1 =	vcmask $0x704;
	vm2 =	vcmask $0xB08;
	v3 =	vor.u32 $0x4000, v0;
	p0 =	seq.s32 s0, $0x1F;
	s23 =	sshll.u32 s0, $0x4;
	s12 =	sshrl.u32 s5, $0x1  }
0x8: {  	v6 =	vimm.s32 $0x3380;
	vm3 =	vcmask $0xF0C;
	v3 =	vor.u32 s23, v3;
	s5 =	ssub.s32 s5, s12;
	s23 =	simm.s32 $0x1D500;
	s2 =	sadd.s32 $0x1E84, s3  }
0x9: {  	vm15 =	vcmask $0x1310;
	vm6 =	vcmask $0x1714;
	v5 =	vsel vm0, $0x0, v5;
	s3 =	sshrl.u32 s3, $0x5;
	s17 =	smax.u32 s5, $0x1;
	s2 =	sshrl.u32 s2, $0x5  }
0xa: {  	vm7 =	vcmask $0x1B18;
	v6 =	vsel vm0, $0x2000, v6;
	v5 =	vsel vm1, $0x80, v5;
	s7 =	sshll.u32 s3, $0x7;
	s15 =	sadd.s32 $0x8, s3;
	s6 =	sshll.u32 s2, $0x7  }
0xb: {  	v6 =	vsel vm1, $0x2080, v6;
	v5 =	vsel vm2, $0x100, v5;
	s8 =	ssub.s32 s2, s3;
	v1 =	vmov s7;
	s7 =	simm.s32 $0x0;
	s6 =	simm.s32 @p0 $0xF4240  }
0xc: {  	vm8 =	vcmask $0x1F1C;
	v6 =	vsel vm2, $0x2100, v6;
	v5 =	vsel vm3, $0x180, v5;
	s10 =	sadd.s32 $0x3, s8;
	p1 =	slt.s32 s8, $0xFFFFFFFE;
	s8 =	sadd.s32 $0xFFFFFFFC, s8  }
0xd: {  	vm9 =	vcmask $0x2320;
	v6 =	vsel vm3, $0x2180, v6;
	v5 =	vsel vm15, $0x200, v5;
	[smem:$0x7FF] =	sst s7;
	s24 =	sand.u32 $0x3, s10;
	s25 =	sshll.u32 s10, $0x10  }
0xe: {  	vm10 =	vcmask $0x2724;
	v6 =	vsel vm15, $0x2200, v6;
	v5 =	vsel vm6, $0x280, v5;
	s11 =	smov.u32 s8;
	_ =	strace $0x80000047;
	s26 =	sshra.s32 s8, $0x1F  }
0xf: {  	v6 =	vsel vm6, $0x2280, v6;
	v5 =	vsel vm7, $0x300, v5;
	v2 =	vmov s6;
	p2 =	sne.s32 s24, $0x0;
	s6 =	sshra.s32 s25, $0x1F;
	s29 =	sand.u32 s26, s8  }
0x10: {  	vm11 =	vcmask $0x2B28;
	v6 =	vsel vm7, $0x2300, v6;
	v5 =	vsel vm8, $0x380, v5;
	s24 =	simm.s32 $0x10;
	s25 =	simm.s32 $0x2;
	s26 =	simm.s32 $0x1ED00  }
0x11: {  	vm12 =	vcmask $0x2F2C;
	v6 =	vsel vm8, $0x2380, v6;
	v5 =	vsel vm9, $0x1000, v5;
	p1 =	por !p1, !p2;
	p2 =	slt.s32 s8, $0x4;
	s6 =	sand.u32 $0x3, s6  }
0x12: {  	vm13 =	vcmask $0x3330;
	v6 =	vsel vm9, $0x3000, v6;
	v5 =	vsel vm10, $0x1080, v5;
	s12 =	sadd.s32 s3, s29;
	s11 =	simm.s32 @!p2 $0x4;
	s6 =	sadd.s32 s6, s10  }
0x13: {  	vm14 =	vcmask $0x3734;
	v6 =	vsel vm10, $0x3080, v6;
	v5 =	vsel vm11, $0x1100, v5;
	p1 =	por !p1, !p1;
	s10 =	simm.s32 $0x1;
	s12 =	sshll.u32 s12, $0x7  }
.Ltmp0:
0x14: {  	v10 =	vor.u32 $0x10, v0;
	v6 =	vsel vm11, $0x3100, v6;
	v5 =	vsel vm12, $0x1180, v5;
	s6 =	sshll.u32 s6, $0x10;
	s11 =	sadd.s32 s3, s11;
	(pc) =	sbr.rel .LBB2_1-.Ltmp0, $4  }
0x15: {  	v6 =	vsel vm12, $0x3180, v6;
	s13 =	simm.s32 @!p1 $0x0;
	s12 =	sand.u32 $0x1FFFFF80, s12;
	v7 =	vsel vm13, $0x1200, v5;
	v5 =	vimm.s32 $0x7FFFFFF0;
	s11 =	sshll.u32 s11, $0x7  }
0x16: {  	vm15 =	vcmask $0x3B38;
	v9 =	vsel vm13, $0x3200, v6;
	v6 =	vmul.u32 $0x80, v0;
	p1 =	sne.s32 s0, $0x1F;
	s30 =	sadd.s32 s4, s12;
	s14 =	sand.u32 $0x1FFFFF80, s11  }
0x17: {  	s6 =	sshra.s32 s6, $0x12;
	v8 =	vsel vm14, $0x1280, v7;
	v7 =	vimm.f32 $0.0e+00;
	v9 =	vsel vm14, $0x3280, v9;
	[dreg:$0x5] =	wrdreg s30;
	s31 =	sadd.s32 s4, s14  }
0x18: {  	s11 =	ssub.s32 s6, s13;
	v8 =	vsel vm15, $0x1300, v8;
	v9 =	vsel vm15, $0x3300, v9;
	v11 =	vor.u32 $0x800, v6;
	s14 =	sadd.s32 $0x4, s3;
	[dreg:$0x6] =	wrdreg s31  }
.LBB2_40:
0x19: {  	[sflag:s28] =	ssyncadd.s32 $0xFFFFF800  }
.LBB2_41:
0x1a: {  	s7 =	sadd.s32 $0x1, s7  }
0x1b: {  	p2 =	sne.s32 s7, s17  }
.Ltmp1:
0x1c: {  	_ = 	snop;
	(pc) =	sbr.rel @!p2 .LBB2_42-.Ltmp1, $1  }
0x1d: {  	_ =	sdelay $0x3  }
.LBB2_1:
0x1e: {  	s0 =	rddreg [dreg:$0x5];
	s5 =	simm.s32 $0x7A1400;
	s6 =	simm.s32 $0x1000  }
0x1f: {  	[tilespmem:s19], [sflag:$0x1] =	stream.strided.gather [hbm4b:s0+s6], $0x4000, s5, s6, $0x38;
	[tilespmem:$0x1FD00] =	vst v63  }
0x20: {  	s31 =	rddreg [dreg:$0x6]  }
0x21: {  	[tilespmem:s20], [sflag:$0x2] =	stream.strided.gather [hbm4b:s31+s6], $0x4000, s5, s6, $0x38;
	[tilespmem:$0x1FD00] =	vst v63  }
0x22: {  	s0 =	simm.s32 $0x0;
	s5 =	simm.s32 $0x0;
	s6 =	simm.s32 $0x0  }
.LBB2_2:
0x23: {  	s12 =	sshll.u32 s6, $0x7  }
0x24: {  	s13 =	simm.s32 $0x0;
	s12 =	sadd.s32 s1, s12  }
0x25: {  	[tilespmem:s13], [sflag:$0x4] =	stream.linear.gather [hbm4b:s12+s13], $0x400, $0x38;
	[tilespmem:$0x1FD00] =	vst v63  }
0x26: {  	_ =	swait.ge [sflag:s21], $0x400  }
0x27: {  	[sflag:s21] =	ssyncset.done $0x0  }
0x28: {  	s31 =	simm.s32 $0x0;
	[sflag:s21] =	ssyncadd.s32 $0xFFFFFC00  }
0x29: {  	v12 =	vld [tilespmem:s31+$0x0];
	_ =	sdelay $0x4  }
0x2a: {  	vm0 =	vge.s32 v12, v1;
	vm1 =	vlt.s32 v12, v2  }
0x2b: {  	vm0 =	vmand vm0, vm1  }
0x2c: {  	v13 =	vsel vm0, $0x1, v4  }
0x2d: {  	(xrf0) =	vadd.scan.msk.s32 $0xffff, v13;
	_ =	sdelay $0x5  }
0x2e: {  	v13, _, _ =	vpop (xrf0)  }
0x2f: {  	(v2sf) =	vpush v13, $0xF  }
0x30: {  	v63 =	vor.u32 s5, v0;
	[tilespmem:s0+$0x400] =	vst.msk vm0, v12  }
0x31: {  	s30 =	simm.s32 $0x80;
	s29 =	smov.u32 s5;
	s12 =	simm.s32 $0x10;
	[tilespmem:s0+$0x700] =	vst.msk vm0, v63  }
.LBB2_3:
0x32: {  	p2 =	sne.s32 s30, $0xFC0;
	v12 =	vld [tilespmem:s12+$0x0];
	_ =	sdelay $0x4  }
0x33: {  	vm0 =	vge.s32 v12, v1;
	vm1 =	vlt.s32 v12, v2  }
0x34: {  	vm0 =	vmand vm0, vm1  }
0x35: {  	v13 =	vsel vm0, $0x1, v4  }
0x36: {  	(xrf0) =	vadd.scan.msk.s32 $0xffff, v13;
	_ =	sdelay $0x3  }
0x37: {  	s12 =	spop (v2sf)  }
.Ltmp2:
0x38: {  	s0 =	sadd.s32 s0, s12;
	(pc) =	sbr.rel @p2 .LBB2_3-.Ltmp2, $4  }
0x39: {  	v13, _, _ =	vpop (xrf0);
	p3 =	slt.s32 s0, $0x280  }
0x3a: {  	s29 =	sadd.s32 $0x10, s29;
	(v2sf) =	vpush v13, $0xF;
	s0 =	simm.s32 @!p3 $0x280  }
0x3b: {  	v13 =	vor.u32 s29, v0;
	[tilespmem:s0+$0x400] =	vst.msk vm0, v12  }
0x3c: {  	s12 =	sshra.s32 s30, $0x2;
	s30 =	sadd.s32 $0x40, s30;
	[tilespmem:s0+$0x700] =	vst.msk vm0, v13  }
0x3d: {  	v12 =	vld [tilespmem:s12+$0x0];
	_ =	sdelay $0x4  }
0x3e: {  	vm0 =	vge.s32 v12, v1;
	vm1 =	vlt.s32 v12, v2  }
0x3f: {  	vm0 =	vmand vm0, vm1  }
0x40: {  	v13 =	vsel vm0, $0x1, v4  }
0x41: {  	(xrf0) =	vadd.scan.msk.s32 $0xffff, v13;
	_ =	sdelay $0x5  }
0x42: {  	v13, _, _ =	vpop (xrf0)  }
0x43: {  	(v2sf) =	vpush v13, $0xF;
	_ =	sdelay $0xb  }
0x44: {  	s6 =	sadd.s32 $0x1, s6;
	s30 =	spop (v2sf)  }
0x45: {  	p3 =	sne.s32 s6, $0x10;
	s13 =	sadd.s32 s0, s30  }
.Ltmp3:
0x46: {  	p2 =	slt.s32 s13, $0x280;
	(pc) =	sbr.rel @p3 .LBB2_2-.Ltmp3, $4  }
0x47: {  	s13 =	simm.s32 @!p2 $0x280;
	s31 =	spop (v2sf)  }
0x48: {  	s16 =	sadd.s32 $0x10, s29;
	s12 =	sadd.s32 s13, s31  }
0x49: {  	v63 =	vor.u32 s16, v0;
	[tilespmem:s13+$0x400] =	vst.msk vm0, v12;
	p2 =	slt.s32 s12, $0x280;
	s0 =	smov.u32 s12  }
0x4a: {  	s5 =	sadd.s32 $0x400, s5;
	[tilespmem:s13+$0x700] =	vst.msk vm0, v63;
	s0 =	simm.s32 @!p2 $0x280  }
0x4b: {  	s5 =	sadd.s32 $0xF, s0  }
0x4c: {  	s6 =	sand.u32 $0xF, s5  }
0x4d: {  	p2 =	slt.s32 s12, $0xFFFFFFF2;
	s16 =	sshra.s32 s5, $0x1F;
	p3 =	sne.s32 s6, $0x0  }
.Ltmp4:
0x4e: {  	s18 =	sshrl.u32 s16, $0x1C;
	p2 =	por !p2, !p3;
	(pc) =	sbr.rel .LBB2_6-.Ltmp4, $4  }
0x4f: {  	s6 =	simm.s32 $0x1;
	s5 =	sadd.s32 s18, s5;
	p2 =	por !p2, !p2  }
0x50: {  	s5 =	sshra.s32 s5, $0x4;
	s6 =	simm.s32 @!p2 $0x0  }
0x51: {  	s29 =	simm.s32 $0x0;
	s30 =	ssub.s32 s5, s6  }
0x52: {  	[tilespmem:s0+$0x400] =	vst v5;
	s31 =	simm.s32 $0x0;
	s5 =	simm.s32 $0x0;
	p2 =	slt.s32 s30, $0x1  }
.LBB2_18:
0x53: {  	s5 =	smov.u32 s6  }
.LBB2_28:
0x54: {  	s31 =	sadd.s32 $0x1, s31  }
0x55: {  	p3 =	sne.s32 s31, $0x1F  }
.Ltmp5:
0x56: {  	_ = 	snop;
	(pc) =	sbr.rel @!p3 .LBB2_29-.Ltmp5, $1  }
0x57: {  	_ =	sdelay $0x3  }
.LBB2_6:
0x58: {  	s0 =	sshll.u32 s31, $0x1  }
0x59: {  	p3 =	sge.s32 s0, s11  }
.Ltmp6:
0x5a: {  	_ = 	snop;
	(pc) =	sbr.rel @p3 .LBB2_7-.Ltmp6, $1  }
0x5b: {  	_ =	sdelay $0x3  }
.Ltmp7:
0x5c: {  	(pc) =	sbr.rel @p2 .LBB2_14-.Ltmp7, $4  }
0x5d: {  	_ = 	snop  }
0x5e: {  	_ =	swait.ge [sflag:s10], $0x4000  }
0x5f: {  	[sflag:s10] =	ssyncset.done $0x0  }
0x60: {  	[sflag:s10] =	ssyncadd.s32 $0xFFFFC000  }
0x61: {  	s6 =	sshll.u32 s31, $0x3  }
.Ltmp8:
0x62: {  	s12 =	smov.u32 s8;
	p3 =	slt.s32 s6, s8;
	(pc) =	sbr.rel .LBB2_10-.Ltmp8, $4  }
0x63: {  	s13 =	sadd.s32 s6, s14;
	s12 =	smov.u32 @p3 s6  }
0x64: {  	s13 =	smin.u32 s13, s2;
	s6 =	sadd.s32 s3, s6;
	s12 =	sadd.s32 s3, s12  }
0x65: {  	s13 =	sshll.u32 s13, $0x7;
	s6 =	sshll.u32 s6, $0x7;
	s12 =	sshll.u32 s12, $0x7  }
0x66: {  	v12 =	vmov s6;
	v13 =	vmov s13;
	s6 =	simm.s32 $0x0;
	v14 =	vmov s12  }
.LBB2_13:
0x67: {  	s6 =	sadd.s32 $0x1, s6  }
0x68: {  	p3 =	sne.s32 s6, s30  }
.Ltmp9:
0x69: {  	_ = 	snop;
	(pc) =	sbr.rel @!p3 .LBB2_14-.Ltmp9, $1  }
0x6a: {  	_ =	sdelay $0x3  }
.LBB2_10:
0x6b: {  	s12 =	sshll.u32 s6, $0x4  }
0x6c: {  	v15 =	vld [tilespmem:s12+$0x400];
	_ =	sdelay $0x4  }
0x6d: {  	vm0 =	vge.s32 v15, v12;
	vm1 =	vlt.s32 v15, v13  }
0x6e: {  	vm0 =	vmand vm0, vm1  }
0x6f: {  	v16 =	vsel vm0, $0x3F800000, v7  }
0x70: {  	(xrf0) =	vmax.scan.msk.f32 $0xffff, v16;
	_ =	sdelay $0x5  }
0x71: {  	v16, _, _ =	vpop (xrf0)  }
0x72: {  	(v2sf) =	vpush v16, $0xF;
	_ =	sdelay $0xe  }
0x73: {  	s18 =	spop (v2sf)  }
0x74: {  	v16 =	vld [tilespmem:s12+$0x700];
	p3 =	sgt.f32 s18, $0.0e+00  }
.Ltmp10:
0x75: {  	_ = 	snop;
	(pc) =	sbr.rel @!p3 .LBB2_13-.Ltmp10, $2  }
0x76: {  	_ =	sdelay $0x2  }
0x77: {  	[tilespmem:s29+$0xA00] =	vst.msk vm0, v16  }
0x78: {  	v15 =	vsub.s32 v15, v14  }
0x79: {  	v15 =	vxor.u32 $0x80000000, v15  }
.LBB2_12:
0x7a: {  	v16 =	vmctz.xlane vm0;
	_ =	sdelay $0x1  }
0x7b: {  	vm1 =	vne.s32 v16, v0  }
0x7c: {  	v16 =	vsel vm1, $0x80000000, v15;
	vm0 =	vmand vm0, vm1  }
0x7d: {  	(xrf0) =	vmax.scan.msk.u32 $0xffff, v16;
	v16 =	vsel vm0, $0x3F800000, v7  }
0x7e: {  	(xrf0) =	vmax.scan.msk.f32 $0xffff, v16;
	_ =	sdelay $0x4  }
0x7f: {  	v16, _, _ =	vpop (xrf0)  }
0x80: {  	v17, _, _ =	vpop (xrf0)  }
0x81: {  	(v2sf) =	vpush v17, $0xF;
	_ =	sdelay $0x4  }
0x82: {  	v16 =	vbroadcast v16, $0xF;
	_ =	sdelay $0x1  }
0x83: {  	v17 =	vshll.u32 v16, $0x3  }
0x84: {  	v16 =	vand.u32 $0x7F, v16;
	v17 =	vand.u32 $0xFFFFFC00, v17  }
0x85: {  	v16 =	vor.u32 v16, v17  }
0x86: {  	v17 =	vadd.s32 v8, v16  }
0x87: {  	v16 =	vadd.s32 v9, v16;
	_ =	sdelay $0x2  }
0x88: {  	s12 =	sshll.u32 s29, $0x7  }
0x89: {  	v18 =	vor.u32 s12, v0;
	v17 =	vld.idx.msk [tilespmem:v17+s19+$0x0], $0xffff;
	s18 =	spop (v2sf)  }
0x8a: {  	v19 =	vor.u32 s12, v10;
	v16 =	vld.idx.msk [tilespmem:v16+s19+$0x0], $0xffff;
	p3 =	sgt.f32 s18, $0.0e+00  }
.Ltmp11:
0x8b: {  	_ = 	snop;
	(pc) =	sbr.rel @p3 .LBB2_12-.Ltmp11, $3  }
0x8c: {  	_ =	sdelay $0x1  }
0x8d: {  	[tilespmem:v18+s22+$0x0] =	vst.idx.msk $0xffff, v17  }
0x8e: {  	s29 =	sadd.s32 $0x1, s29;
	[tilespmem:v19+s22+$0x0] =	vst.idx.msk $0xffff, v16  }
.Ltmp12:
0x8f: {  	_ = 	snop;
	(pc) =	sbr.rel .LBB2_13-.Ltmp12, $1  }
0x90: {  	_ =	sdelay $0x3  }
.LBB2_7:
.Ltmp13:
0x91: {  	(pc) =	sbr.rel .LBB2_17-.Ltmp13, $2  }
0x92: {  	_ =	sdelay $0x2  }
0x93: {  	s6 =	smov.u32 s5  }
.LBB2_14:
0x94: {  	s6 =	sadd.s32 $0x2, s0  }
0x95: {  	p3 =	sge.s32 s6, s11  }
0x96: {  	s6 =	sshll.u32 @!p3 s6, $0x2  }
0x97: {  	p4 =	slt.s32 @!p3 s6, s8  }
0x98: {  	p4 =	por !p4, p3  }
0x99: {  	s6 =	smov.u32 @p4 s8  }
0x9a: {  	s6 =	sadd.s32 @!p3 s3, s6  }
0x9b: {  	s6 =	sshll.u32 @!p3 s6, $0x7  }
0x9c: {  	s12 =	simm.s32 @!p3 $0x1000;
	s6 =	sand.u32 @!p3 $0x1FFFFF80, s6  }
0x9d: {  	s13 =	simm.s32 @!p3 $0x7A1400;
	s16 =	simm.s32 @!p3 $0xD00;
	s6 =	sadd.s32 @!p3 s4, s6  }
0x9e: {  	[tilespmem:s16], [sflag:$0x1] =	stream.strided.gather @!p3 [hbm4b:s6+s12], $0x4000, s13, s12, $0x38;
	[tilespmem:$0x1FD00] =	vst v63  }
0x9f: {  	s13 =	sand.u32 $0xF, s29  }
0xa0: {  	p5 =	slt.s32 s29, $0x1;
	s16 =	sshra.s32 s29, $0x1F;
	p6 =	sne.s32 s13, $0x0  }
0xa1: {  	s18 =	sshrl.u32 s16, $0x1C;
	p3 =	por !p5, !p6  }
0xa2: {  	s12 =	simm.s32 $0x1;
	s6 =	sadd.s32 s18, s29;
	p3 =	por !p3, !p3  }
0xa3: {  	s6 =	sshra.s32 s6, $0x4;
	s12 =	simm.s32 @!p3 $0x0  }
0xa4: {  	s6 =	ssub.s32 s6, s12  }
0xa5: {  	p3 =	sge.s32 s5, s6  }
.Ltmp14:
0xa6: {  	_ = 	snop;
	(pc) =	sbr.rel @p3 .LBB2_17-.Ltmp14, $1  }
0xa7: {  	_ =	sdelay $0x3  }
0xa8: {  	s12 =	sshll.u32 s5, $0x6  }
0xa9: {  	s12 =	sshra.s32 s12, $0x2  }
0xaa: {  	s13 =	sshll.u32 s5, $0x7;
	s16 =	sadd.s32 $0xA00, s12  }
0xab: {  	s18 =	sshll.u32 s5, $0x9;
	v13 =	vor.u32 s13, v0;
	s13 =	sshll.u32 s5, $0xD;
	s5 =	sadd.s32 $0x1, s5;
	v12 =	vld [tilespmem:s16+$0x0]  }
0xac: {  	p3 =	sne.s32 s6, s5  }
.Ltmp15:
0xad: {  	_ = 	snop;
	(pc) =	sbr.rel @!p3 .LBB2_17-.Ltmp15, $4  }
0xae: {  	_ = 	snop  }
0xaf: {  	s12 =	sshra.s32 s18, $0x2;
	s13 =	sshra.s32 s13, $0x2  }
0xb0: {  	s12 =	sadd.s32 $0x1D500, s12;
	s13 =	sadd.s32 $0x8D00, s13;
	[tilespmem:v13+s23+$0x0] =	vst.idx.msk $0xffff, v12  }
0xb1: {  	[hbm4b:s9+s24] =	stream.indirect.scatter [tilespmem:s13], [sflag:$0x3], $0x80, s12, s24, $0xb8;
	[tilespmem:$0x1FD00] =	vst v63  }
.LBB2_16:
0xb2: {  	s18 =	sshll.u32 s5, $0x7;
	s5 =	sadd.s32 $0x1, s5;
	s16 =	sadd.s32 $0x10, s16  }
0xb3: {  	v12 =	vld [tilespmem:s16+$0x0];
	v13 =	vor.u32 s18, v0;
	p3 =	sne.s32 s6, s5  }
.Ltmp16:
0xb4: {  	(pc) =	sbr.rel @p3 .LBB2_16-.Ltmp16, $3  }
0xb5: {  	_ =	sdelay $0x1  }
0xb6: {  	s12 =	sadd.s32 $0x80, s12;
	s13 =	sadd.s32 $0x800, s13  }
0xb7: {  	[tilespmem:v13+s23+$0x0] =	vst.idx.msk $0xffff, v12;
	[hbm4b:s9+s24] =	stream.indirect.scatter [tilespmem:s13], [sflag:$0x3], $0x80, s12, s24, $0xb8  }
.LBB2_17:
0xb8: {  	s5 =	sor.u32 $0x1, s0  }
0xb9: {  	p3 =	sge.s32 s5, s11  }
.Ltmp17:
0xba: {  	_ = 	snop;
	(pc) =	sbr.rel @p3 .LBB2_18-.Ltmp17, $1  }
0xbb: {  	_ =	sdelay $0x3  }
.Ltmp18:
0xbc: {  	(pc) =	sbr.rel @p2 .LBB2_25-.Ltmp18, $4  }
0xbd: {  	_ = 	snop  }
0xbe: {  	_ =	swait.ge [sflag:s25], $0x4000  }
0xbf: {  	[sflag:s25] =	ssyncset.done $0x0  }
0xc0: {  	[sflag:s25] =	ssyncadd.s32 $0xFFFFC000  }
0xc1: {  	s5 =	sshll.u32 s5, $0x2;
	s12 =	sshll.u32 s31, $0x3  }
.Ltmp19:
0xc2: {  	s13 =	smov.u32 s8;
	p3 =	slt.s32 s5, s8;
	(pc) =	sbr.rel .LBB2_21-.Ltmp19, $4  }
0xc3: {  	s12 =	sadd.s32 s12, s15;
	s13 =	smov.u32 @p3 s5  }
0xc4: {  	s12 =	smin.u32 s12, s2;
	s5 =	sadd.s32 s3, s5;
	s13 =	sadd.s32 s3, s13  }
0xc5: {  	s12 =	sshll.u32 s12, $0x7;
	s5 =	sshll.u32 s5, $0x7;
	s13 =	sshll.u32 s13, $0x7  }
0xc6: {  	v12 =	vmov s5;
	v13 =	vmov s12;
	s5 =	simm.s32 $0x0;
	v14 =	vmov s13  }
.LBB2_24:
0xc7: {  	s5 =	sadd.s32 $0x1, s5  }
0xc8: {  	p3 =	sne.s32 s5, s30  }
.Ltmp20:
0xc9: {  	_ = 	snop;
	(pc) =	sbr.rel @!p3 .LBB2_25-.Ltmp20, $1  }
0xca: {  	_ =	sdelay $0x3  }
.LBB2_21:
0xcb: {  	s12 =	sshll.u32 s5, $0x4  }
0xcc: {  	v15 =	vld [tilespmem:s12+$0x400];
	_ =	sdelay $0x4  }
0xcd: {  	vm0 =	vge.s32 v15, v12;
	vm1 =	vlt.s32 v15, v13  }
0xce: {  	vm0 =	vmand vm0, vm1  }
0xcf: {  	v16 =	vsel vm0, $0x3F800000, v7  }
0xd0: {  	(xrf0) =	vmax.scan.msk.f32 $0xffff, v16;
	_ =	sdelay $0x5  }
0xd1: {  	v16, _, _ =	vpop (xrf0)  }
0xd2: {  	(v2sf) =	vpush v16, $0xF;
	_ =	sdelay $0xe  }
0xd3: {  	s18 =	spop (v2sf)  }
0xd4: {  	v16 =	vld [tilespmem:s12+$0x700];
	p3 =	sgt.f32 s18, $0.0e+00  }
.Ltmp21:
0xd5: {  	_ = 	snop;
	(pc) =	sbr.rel @!p3 .LBB2_24-.Ltmp21, $2  }
0xd6: {  	_ =	sdelay $0x2  }
0xd7: {  	[tilespmem:s29+$0xA00] =	vst.msk vm0, v16  }
0xd8: {  	v15 =	vsub.s32 v15, v14  }
0xd9: {  	v15 =	vxor.u32 $0x80000000, v15  }
.LBB2_23:
0xda: {  	v16 =	vmctz.xlane vm0;
	_ =	sdelay $0x1  }
0xdb: {  	vm1 =	vne.s32 v16, v0  }
0xdc: {  	v16 =	vsel vm1, $0x80000000, v15;
	vm0 =	vmand vm0, vm1  }
0xdd: {  	(xrf0) =	vmax.scan.msk.u32 $0xffff, v16;
	v16 =	vsel vm0, $0x3F800000, v7  }
0xde: {  	(xrf0) =	vmax.scan.msk.f32 $0xffff, v16;
	_ =	sdelay $0x4  }
0xdf: {  	v16, _, _ =	vpop (xrf0)  }
0xe0: {  	v17, _, _ =	vpop (xrf0)  }
0xe1: {  	(v2sf) =	vpush v17, $0xF;
	_ =	sdelay $0x4  }
0xe2: {  	v16 =	vbroadcast v16, $0xF;
	_ =	sdelay $0x1  }
0xe3: {  	v17 =	vshll.u32 v16, $0x3  }
0xe4: {  	v16 =	vand.u32 $0x7F, v16;
	v17 =	vand.u32 $0xFFFFFC00, v17  }
0xe5: {  	v16 =	vor.u32 v16, v17  }
0xe6: {  	v17 =	vadd.s32 v8, v16  }
0xe7: {  	v16 =	vadd.s32 v9, v16;
	_ =	sdelay $0x2  }
0xe8: {  	s12 =	sshll.u32 s29, $0x7  }
0xe9: {  	v18 =	vor.u32 s12, v0;
	v17 =	vld.idx.msk [tilespmem:v17+s20+$0x0], $0xffff;
	s18 =	spop (v2sf)  }
0xea: {  	v19 =	vor.u32 s12, v10;
	v16 =	vld.idx.msk [tilespmem:v16+s20+$0x0], $0xffff;
	p3 =	sgt.f32 s18, $0.0e+00  }
.Ltmp22:
0xeb: {  	_ = 	snop;
	(pc) =	sbr.rel @p3 .LBB2_23-.Ltmp22, $3  }
0xec: {  	_ =	sdelay $0x1  }
0xed: {  	[tilespmem:v18+s22+$0x0] =	vst.idx.msk $0xffff, v17  }
0xee: {  	s29 =	sadd.s32 $0x1, s29;
	[tilespmem:v19+s22+$0x0] =	vst.idx.msk $0xffff, v16  }
.Ltmp23:
0xef: {  	_ = 	snop;
	(pc) =	sbr.rel .LBB2_24-.Ltmp23, $1  }
0xf0: {  	_ =	sdelay $0x3  }
.LBB2_25:
0xf1: {  	s0 =	sadd.s32 $0x3, s0  }
0xf2: {  	p3 =	sge.s32 s0, s11  }
0xf3: {  	s0 =	sshll.u32 @!p3 s0, $0x2  }
0xf4: {  	p4 =	slt.s32 @!p3 s0, s8  }
0xf5: {  	p4 =	por !p4, p3  }
0xf6: {  	s0 =	smov.u32 @p4 s8  }
0xf7: {  	s0 =	sadd.s32 @!p3 s3, s0  }
0xf8: {  	s0 =	sshll.u32 @!p3 s0, $0x7  }
0xf9: {  	s5 =	simm.s32 @!p3 $0x1000;
	s0 =	sand.u32 @!p3 $0x1FFFFF80, s0  }
0xfa: {  	s12 =	simm.s32 @!p3 $0x7A1400;
	s13 =	simm.s32 @!p3 $0x4D00;
	s0 =	sadd.s32 @!p3 s4, s0  }
0xfb: {  	[tilespmem:s13], [sflag:$0x2] =	stream.strided.gather @!p3 [hbm4b:s0+s5], $0x4000, s12, s5, $0x38;
	[tilespmem:$0x1FD00] =	vst v63  }
0xfc: {  	s13 =	sand.u32 $0xF, s29  }
0xfd: {  	s16 =	sshra.s32 s29, $0x1F;
	p5 =	slt.s32 s29, $0x1;
	p6 =	sne.s32 s13, $0x0  }
0xfe: {  	s18 =	sshrl.u32 s16, $0x1C;
	p3 =	por !p5, !p6  }
0xff: {  	s0 =	sadd.s32 s18, s29;
	s5 =	simm.s32 $0x1;
	p3 =	por !p3, !p3  }
0x100: {  	s0 =	sshra.s32 s0, $0x4;
	s5 =	simm.s32 @!p3 $0x0  }
0x101: {  	s5 =	ssub.s32 s0, s5  }
0x102: {  	p3 =	sge.s32 s6, s5  }
.Ltmp24:
0x103: {  	_ = 	snop;
	(pc) =	sbr.rel @p3 .LBB2_28-.Ltmp24, $1  }
0x104: {  	_ =	sdelay $0x3  }
0x105: {  	s0 =	sshll.u32 s6, $0x6  }
0x106: {  	s0 =	sshra.s32 s0, $0x2  }
0x107: {  	s12 =	sshll.u32 s6, $0x7;
	s0 =	sadd.s32 $0xA00, s0  }
0x108: {  	s18 =	sshll.u32 s6, $0x9;
	s13 =	sshll.u32 s6, $0xD;
	s6 =	sadd.s32 $0x1, s6;
	v13 =	vor.u32 s12, v0;
	v12 =	vld [tilespmem:s0+$0x0]  }
0x109: {  	p3 =	sne.s32 s5, s6  }
.Ltmp25:
0x10a: {  	_ = 	snop;
	(pc) =	sbr.rel @!p3 .LBB2_28-.Ltmp25, $4  }
0x10b: {  	_ = 	snop  }
0x10c: {  	s12 =	sshra.s32 s18, $0x2;
	s13 =	sshra.s32 s13, $0x2  }
0x10d: {  	s12 =	sadd.s32 $0x1D500, s12;
	s13 =	sadd.s32 $0x8D00, s13;
	[tilespmem:v13+s23+$0x0] =	vst.idx.msk $0xffff, v12  }
0x10e: {  	[hbm4b:s9+s24] =	stream.indirect.scatter [tilespmem:s13], [sflag:$0x3], $0x80, s12, s24, $0xb8;
	[tilespmem:$0x1FD00] =	vst v63  }
.LBB2_27:
0x10f: {  	s16 =	sshll.u32 s6, $0x7;
	s6 =	sadd.s32 $0x1, s6;
	s0 =	sadd.s32 $0x10, s0  }
0x110: {  	v12 =	vld [tilespmem:s0+$0x0];
	v13 =	vor.u32 s16, v0;
	p3 =	sne.s32 s5, s6  }
.Ltmp26:
0x111: {  	(pc) =	sbr.rel @p3 .LBB2_27-.Ltmp26, $3  }
0x112: {  	_ =	sdelay $0x1  }
0x113: {  	s12 =	sadd.s32 $0x80, s12;
	s13 =	sadd.s32 $0x800, s13  }
0x114: {  	[tilespmem:v13+s23+$0x0] =	vst.idx.msk $0xffff, v12;
	[hbm4b:s9+s24] =	stream.indirect.scatter [tilespmem:s13], [sflag:$0x3], $0x80, s12, s24, $0xb8  }
.Ltmp27:
0x115: {  	_ = 	snop;
	(pc) =	sbr.rel .LBB2_28-.Ltmp27, $1  }
0x116: {  	_ =	sdelay $0x3  }
.LBB2_29:
0x117: {  	s0 =	simm.s32 @!p1 $0x0;
	s6 =	simm.s32 @!p1 $0x1ED00;
	s12 =	rddreg [dreg:$0x2]  }
0x118: {  	[tilespmem:s6], [sflag:$0x4] =	stream.linear.gather @!p1 [hbm4b:s12+s0], $0x1000, $0x38;
	[tilespmem:$0x1FD00] =	vst v63  }
.Ltmp28:
0x119: {  	_ = 	snop;
	(pc) =	sbr.rel @!p2 .LBB2_30-.Ltmp28, $4  }
0x11a: {  	s0 =	simm.s32 @!p1 $0x4  }
0x11b: {  	_ =	swait.ge @!p1 [sflag:s0], $0x1000  }
0x11c: {  	[sflag:s0] =	ssyncset.done @!p1 $0x0  }
0x11d: {  	s6 =	simm.s32 $0x0;
	[sflag:s0] =	ssyncadd.s32 @!p1 $0xFFFFF000;
	s0 =	smov.u32 s29  }
.LBB2_34:
0x11e: {  	s29 =	smov.u32 @p0 s0  }
0x11f: {  	s0 =	sadd.s32 $0xF, s29  }
0x120: {  	s6 =	sand.u32 $0xF, s0  }
0x121: {  	s31 =	sshra.s32 s0, $0x1F;
	p3 =	slt.s32 s0, $0x1;
	p2 =	sne.s32 s6, $0x0  }
0x122: {  	s6 =	sshrl.u32 s31, $0x1C;
	p2 =	por !p3, !p2  }
0x123: {  	s0 =	sadd.s32 s6, s0;
	s6 =	simm.s32 $0x1;
	p2 =	por !p2, !p2  }
0x124: {  	s0 =	sshra.s32 s0, $0x4;
	s6 =	simm.s32 @!p2 $0x0  }
0x125: {  	s0 =	ssub.s32 s0, s6  }
0x126: {  	p2 =	sge.s32 s5, s0  }
.Ltmp29:
0x127: {  	_ = 	snop;
	(pc) =	sbr.rel @p2 .LBB2_37-.Ltmp29, $2  }
0x128: {  	_ =	sdelay $0x2  }
0x129: {  	[tilespmem:s29+$0xA00] =	vst v3  }
0x12a: {  	s13 =	sshll.u32 s5, $0x6  }
0x12b: {  	s13 =	sshra.s32 s13, $0x2  }
0x12c: {  	s31 =	sshll.u32 s5, $0x7;
	s29 =	sadd.s32 $0xA00, s13  }
0x12d: {  	s6 =	sshll.u32 s5, $0x9;
	s12 =	sshll.u32 s5, $0xD;
	s5 =	sadd.s32 $0x1, s5;
	v13 =	vor.u32 s31, v0;
	v12 =	vld [tilespmem:s29+$0x0]  }
0x12e: {  	p2 =	seq.s32 s0, s5  }
.Ltmp30:
0x12f: {  	_ = 	snop;
	(pc) =	sbr.rel @p2 .LBB2_37-.Ltmp30, $4  }
0x130: {  	_ = 	snop  }
0x131: {  	s6 =	sshra.s32 s6, $0x2;
	s12 =	sshra.s32 s12, $0x2  }
0x132: {  	s6 =	sadd.s32 $0x1D500, s6;
	s16 =	sadd.s32 $0x8D00, s12;
	[tilespmem:v13+s23+$0x0] =	vst.idx.msk $0xffff, v12  }
0x133: {  	[hbm4b:s9+s24] =	stream.indirect.scatter [tilespmem:s16], [sflag:$0x3], $0x80, s6, s24, $0xb8;
	[tilespmem:$0x1FD00] =	vst v63  }
.LBB2_36:
0x134: {  	s12 =	sshll.u32 s5, $0x7;
	s5 =	sadd.s32 $0x1, s5;
	s29 =	sadd.s32 $0x10, s29  }
0x135: {  	v12 =	vld [tilespmem:s29+$0x0];
	v13 =	vor.u32 s12, v0;
	p2 =	seq.s32 s0, s5  }
.Ltmp31:
0x136: {  	(pc) =	sbr.rel @!p2 .LBB2_36-.Ltmp31, $3  }
0x137: {  	_ =	sdelay $0x1  }
0x138: {  	s6 =	sadd.s32 $0x80, s6;
	s16 =	sadd.s32 $0x800, s16  }
0x139: {  	[tilespmem:v13+s23+$0x0] =	vst.idx.msk $0xffff, v12;
	[hbm4b:s9+s24] =	stream.indirect.scatter [tilespmem:s16], [sflag:$0x3], $0x80, s6, s24, $0xb8  }
.LBB2_37:
0x13a: {  	p2 =	sgt.s32 s0, $0x0  }
.Ltmp32:
0x13b: {  	_ = 	snop;
	(pc) =	sbr.rel @!p2 .LBB2_41-.Ltmp32, $1  }
0x13c: {  	_ =	sdelay $0x3  }
0x13d: {  	p2 =	sne.s32 s0, $0x1  }
.Ltmp33:
0x13e: {  	_ = 	snop;
	(pc) =	sbr.rel @!p2 .LBB2_40-.Ltmp33, $3  }
0x13f: {  	_ =	sdelay $0x1  }
0x140: {  	_ =	swait.ge [sflag:s28], $0x800  }
0x141: {  	s0 =	sadd.s32 $0xFFFFFFFF, s0;
	[sflag:s28] =	ssyncset.done $0x0  }
.LBB2_39:
0x142: {  	p2 =	sne.s32 s0, $0x1;
	s0 =	sadd.s32 $0xFFFFFFFF, s0;
	[sflag:s28] =	ssyncadd.s32 $0xFFFFF800  }
.Ltmp34:
0x143: {  	(pc) =	sbr.rel @p2 .LBB2_39-.Ltmp34, $3  }
0x144: {  	_ =	sdelay $0x1  }
0x145: {  	_ =	swait.ge [sflag:s28], $0x800  }
0x146: {  	[sflag:s28] =	ssyncset.done $0x0  }
.Ltmp35:
0x147: {  	_ = 	snop;
	(pc) =	sbr.rel .LBB2_40-.Ltmp35, $1  }
0x148: {  	_ =	sdelay $0x3  }
.LBB2_33:
0x149: {  	s6 =	sadd.s32 $0x1, s6  }
0x14a: {  	p2 =	sne.s32 s6, s30  }
.Ltmp36:
0x14b: {  	_ = 	snop;
	(pc) =	sbr.rel @!p2 .LBB2_34-.Ltmp36, $1  }
0x14c: {  	_ =	sdelay $0x3  }
.LBB2_30:
0x14d: {  	s12 =	sshll.u32 s6, $0x4  }
0x14e: {  	v12 =	vld [tilespmem:s12+$0x400];
	_ =	sdelay $0x4  }
0x14f: {  	v13 =	vand.u32 $0xFFFFFFC0, v12  }
0x150: {  	vm0 =	veq.s32 v13, $0xF4200  }
0x151: {  	v13 =	vsel vm0, $0x3F800000, v7  }
0x152: {  	(xrf0) =	vmax.scan.msk.f32 $0xffff, v13;
	_ =	sdelay $0x5  }
0x153: {  	v13, _, _ =	vpop (xrf0)  }
0x154: {  	(v2sf) =	vpush v13, $0xF;
	_ =	sdelay $0xe  }
0x155: {  	s31 =	spop (v2sf)  }
0x156: {  	v13 =	vld [tilespmem:s12+$0x700];
	p2 =	sgt.f32 s31, $0.0e+00  }
.Ltmp37:
0x157: {  	_ = 	snop;
	(pc) =	sbr.rel @!p2 .LBB2_33-.Ltmp37, $2  }
0x158: {  	_ =	sdelay $0x2  }
0x159: {  	[tilespmem:s0+$0xA00] =	vst.msk vm0, v13  }
0x15a: {  	v12 =	vadd.s32 $0x7FF0BE00, v12  }
.LBB2_32:
0x15b: {  	v13 =	vmctz.xlane vm0;
	_ =	sdelay $0x1  }
0x15c: {  	vm1 =	vne.s32 v13, v0  }
0x15d: {  	v13 =	vsel vm1, $0x80000000, v12  }
0x15e: {  	(xrf0) =	vmax.scan.msk.u32 $0xffff, v13;
	_ =	sdelay $0x5  }
0x15f: {  	vm0 =	vmand vm0, vm1;
	v13, _, _ =	vpop (xrf0)  }
0x160: {  	(v2sf) =	vpush v13, $0xF;
	v13 =	vsel vm0, $0x3F800000, v7  }
0x161: {  	(xrf0) =	vmax.scan.msk.f32 $0xffff, v13;
	_ =	sdelay $0x5  }
0x162: {  	v13, _, _ =	vpop (xrf0)  }
0x163: {  	(v2sf) =	vpush v13, $0xF;
	_ =	sdelay $0x7  }
0x164: {  	s12 =	spop (v2sf)  }
0x165: {  	s12 =	sxor.u32 $0x80000000, s12  }
0x166: {  	v13 =	vadd.s32 s12, v6  }
0x167: {  	v14 =	vadd.s32 s12, v11;
	_ =	sdelay $0x2  }
0x168: {  	s18 =	sshll.u32 s0, $0x7  }
0x169: {  	v15 =	vor.u32 s18, v0;
	v13 =	vld.idx.msk [tilespmem:v13+s26+$0x0], $0xffff;
	s31 =	spop (v2sf)  }
0x16a: {  	v16 =	vor.u32 s18, v10;
	v14 =	vld.idx.msk [tilespmem:v14+s26+$0x0], $0xffff;
	p2 =	sgt.f32 s31, $0.0e+00  }
.Ltmp38:
0x16b: {  	_ = 	snop;
	(pc) =	sbr.rel @p2 .LBB2_32-.Ltmp38, $3  }
0x16c: {  	_ =	sdelay $0x1  }
0x16d: {  	[tilespmem:v15+s22+$0x0] =	vst.idx.msk $0xffff, v13  }
0x16e: {  	s0 =	sadd.s32 $0x1, s0;
	[tilespmem:v16+s22+$0x0] =	vst.idx.msk $0xffff, v14  }
.Ltmp39:
0x16f: {  	_ = 	snop;
	(pc) =	sbr.rel .LBB2_33-.Ltmp39, $1  }
0x170: {  	_ =	sdelay $0x3  }
.LBB2_42:
0x171: {  	_ =	sfence.sel $0x180000  }
0x172: {  	[bflag:$0x0] =	sbarrier.arrive $0xFFFF  }
0x173: {  	_ =	strace $0x90000047  }
0x174: {  	s0 =	stileid.u32;
	[bflag:$0x2] =	sbarrier.arrive $0xFFFF  }
0x175: {  	p0 =	sne.s32 s0, $0x0;
	s0 =	rddreg [dreg:$0x4]  }
0x176: {  	s0 =	sadd.s32 @!p0 $0x100000, s0  }
0x177: {  	[sflag:s0] =	ssyncadd.tile.s32 @!p0 $0x1;
	_ =	shalt  }
.Lfunc_end2:
_tile_overlayer_lowered:
.L_overlay_start_2:
0x178: {  	(tag) =	ssettag $0x2  }
0x179: {  	s0 =	rddreg [dreg:$0x0];
	s2 =	stileid.u32  }
0x17a: {  	s1 =	rddreg [dreg:$0x1];
	p0 =	sne.s32 s2, $0x0  }
0x17b: {  	s3 =	rddreg [dreg:$0x2];
	[bflag:$0x3] =	sbarrier.arrive $0xFFFF;
	s2 =	simm.s32 @!p0 $0x1C04  }
0x17c: {  	[timem:s3], [sflag:s2] =	dma.local @!p0 [hbm:s0], s1  }
0x17d: {  	s0 =	simm.s32 @!p0 $0x4  }
0x17e: {  	_ =	swait.ge @!p0 [sflag:s0], s1  }
0x17f: {  	s1 =	ssub.s32 @!p0 $0x0, s1;
	[sflag:s0] =	ssyncset.done @!p0 $0x0  }
0x180: {  	[sflag:s0] =	ssyncadd.s32 @!p0 s1  }
0x181: {  	[bflag:$0x3] =	sbarrier.arrive $0xFFFF  }
0x182: {  	_ =	shalt  }

</sc_bundles>
